<compile_context>
chip_gen: v7x
topology: tpu7x:2x2x1
jax: 0.10.2.dev20260603
libtpu: 0.0.44.dev20260713+nightly
codegen_flags: <defaults>
</compile_context>

<pallas_src>
import functools

import jax
import jax.numpy as jnp
from jax import lax
from jax.experimental import pallas as pl
from jax.experimental.pallas import tpu as pltpu
from jax.experimental.pallas import tpu_sc as plsc

D = 32
S = 50
SP = 56
LP = 128
G = 8


@functools.cache
def _make_gather(R):
    info = plsc.get_sparse_core_info()
    nc, ns = info.num_cores, info.num_subcores
    nw = nc * ns
    r_per_w = R // nw
    n_groups = r_per_w // G
    assert n_groups * G == r_per_w and n_groups % 2 == 0 and n_groups >= 4
    mesh = plsc.VectorSubcoreMesh(core_axis_name="c", subcore_axis_name="s")

    @functools.partial(
        pl.kernel,
        mesh=mesh,
        out_type=jax.ShapeDtypeStruct((R, SP, LP), jnp.float32),
        scratch_types=[
            pltpu.VMEM((G, SP), jnp.int32),
            pltpu.VMEM((G, SP), jnp.int32),
            pltpu.VMEM((G, SP, D), jnp.float32),
            pltpu.VMEM((G, SP, D), jnp.float32),
            pltpu.SemaphoreType.DMA,
            pltpu.SemaphoreType.DMA,
            pltpu.SemaphoreType.DMA,
            pltpu.SemaphoreType.DMA,
            pltpu.SemaphoreType.DMA,
            pltpu.SemaphoreType.DMA,
        ],
        compiler_params=pltpu.CompilerParams(use_tc_tiling_on_sc=False),
    )
    def gather_kernel(idx_hbm, table_hbm, out_hbm,
                      idx0, idx1, rows0, rows1,
                      si0, si1, sg0, sg1, so0, so1):
        wid = lax.axis_index("s") * nc + lax.axis_index("c")
        row_base = wid * r_per_w
        idx = (idx0, idx1)
        rows = (rows0, rows1)
        si = (si0, si1)
        sg = (sg0, sg1)
        so = (so0, so1)

        def idx_fetch(g, b):
            pltpu.async_copy(
                idx_hbm.at[pl.ds(row_base + g * G, G), pl.ds(0, SP)],
                idx[b], si[b])

        def idx_wait(b):
            pltpu.make_async_copy(
                idx_hbm.at[pl.ds(0, G), pl.ds(0, SP)], idx[b], si[b]).wait()

        def gather_fire(b):
            for j in range(G):
                pltpu.async_copy(table_hbm.at[idx[b].at[j]],
                                 rows[b].at[j], sg[b])

        def gather_drain(b):
            pltpu.make_async_copy(
                out_hbm.at[pl.ds(0, G), pl.ds(0, SP), pl.ds(0, D)],
                rows[b], sg[b]).wait()

        def store_fire(g, b):
            pltpu.async_copy(
                rows[b],
                out_hbm.at[pl.ds(row_base + g * G, G), pl.ds(0, SP),
                           pl.ds(0, D)],
                so[b])

        def store_drain(b):
            pltpu.make_async_copy(
                rows[b],
                out_hbm.at[pl.ds(0, G), pl.ds(0, SP), pl.ds(0, D)],
                so[b]).wait()

        idx_fetch(0, 0)
        idx_fetch(1, 1)
        idx_wait(0)
        gather_fire(0)
        idx_wait(1)
        gather_fire(1)
        gather_drain(0)
        store_fire(0, 0)
        idx_fetch(2, 0)

        def outer(t, carry):
            for b in (0, 1):
                g = 2 * t + b
                bp = 1 - b
                idx_wait(b)
                store_drain(b)
                gather_fire(b)
                gather_drain(bp)
                store_fire(g - 1, bp)

                @pl.when(g + 1 < n_groups)
                def _():
                    idx_fetch(g + 1, bp)
            return carry

        lax.fori_loop(1, n_groups // 2, outer, 0)

        last = n_groups - 1
        gather_drain(last % 2)
        store_fire(last, last % 2)
        store_drain(0)
        store_drain(1)

    return gather_kernel


def kernel(x, weight):
    xi = x.astype(jnp.int32)
    n = weight.shape[0]
    fill = (jax.lax.broadcasted_iota(jnp.int32, (xi.shape[0], LP - xi.shape[1]), 0)
            * (LP - xi.shape[1])
            + jax.lax.broadcasted_iota(jnp.int32, (xi.shape[0], LP - xi.shape[1]), 1)) % n
    xp = jnp.concatenate([xi, fill], axis=1)
    out = _make_gather(xp.shape[0])(xp, weight)
    return out[:, :S, :D]

# --- scband reference (transcript-rebuilt; emitter-appended) ---
"""Pipeline reference for scband-embedding-18657337934031 (READ-ONLY COPY).

The authoritative reference and input builder live on the scoring server;
editing this copy changes nothing except your own understanding.
"""

import jax, jax.numpy as jnp
import numpy as np

NUM_EMBEDDINGS = 1000000
EMBEDDING_DIM = 32

def setup_inputs(seed: int = 0) -> dict:
    key = jax.random.key(seed)
    k1, k2 = jax.random.split(key)
    x = jax.random.randint(k1, (16384, 50), 0, NUM_EMBEDDINGS, dtype=jnp.int64 if jax.config.jax_enable_x64 else jnp.int32)
    weight = jax.random.normal(k2, (NUM_EMBEDDINGS, EMBEDDING_DIM), dtype=jnp.float32)
    return {"x": x, "weight": weight}

def reference(x, weight):
    # weight[x]: gather rows of the embedding table
    return jnp.take(weight, x, axis=0)

if __name__ == "__main__":
    import jax
    _d = setup_inputs()
    print(jax.jit(kernel)(*tuple(_d.values())))

</pallas_src>

<mosaic_0001>
#map = affine_map<(d0, d1) -> (0, 0)>
#map1 = affine_map<(d0, d1) -> (0, 0, 0)>
module attributes {stable_mosaic.version = 14 : i64} {
  func.func @gather_kernel(%arg0: i32, %arg1: i32, %arg2: memref<16384x128xi32, #tpu.memory_space<hbm>>, %arg3: memref<1000000x32xf32, #tpu.memory_space<hbm>>, %arg4: memref<16384x56x128xf32, #tpu.memory_space<hbm>>, %arg5: memref<8x56xi32, #tpu.memory_space<vmem>>, %arg6: memref<8x56xi32, #tpu.memory_space<vmem>>, %arg7: memref<8x56x32xf32, #tpu.memory_space<vmem>>, %arg8: memref<8x56x32xf32, #tpu.memory_space<vmem>>, %arg9: memref<!tpu.dma_semaphore, #tpu.memory_space<semaphore_mem>>, %arg10: memref<!tpu.dma_semaphore, #tpu.memory_space<semaphore_mem>>, %arg11: memref<!tpu.dma_semaphore, #tpu.memory_space<semaphore_mem>>, %arg12: memref<!tpu.dma_semaphore, #tpu.memory_space<semaphore_mem>>, %arg13: memref<!tpu.dma_semaphore, #tpu.memory_space<semaphore_mem>>, %arg14: memref<!tpu.dma_semaphore, #tpu.memory_space<semaphore_mem>>) attributes {dimension_semantics = [#tpu.dimension_semantics<core_parallel>, #tpu.dimension_semantics<subcore_parallel>], iteration_bounds = array<i64: 2, 16>, scalar_prefetch = 0 : i64, scratch_operands = 10 : i64, tpu.core_type = #tpu.core_type<sc_vector_subcore>, window_params = [{transform_indices = #map}, {transform_indices = #map}, {transform_indices = #map1}]} {
    %mul3A = arith.constant 2 : i32
    %mul3A_0 = arith.muli %arg1, %mul3A : i32
    %add3A = arith.addi %mul3A_0, %arg0 : i32
    %mul3A_1 = arith.constant 512 : i32
    %mul3A_2 = arith.muli %add3A, %mul3A_1 : i32
    %add3A_3 = arith.constant 0 : i32
    %add3A_4 = arith.addi %mul3A_2, %add3A_3 : i32
    %dma_start3A = arith.constant 0 : i32
    %dma_start3A_5 = tpu.memref_slice %arg2[%add3A_4, %dma_start3A] : memref<16384x128xi32, #tpu.memory_space<hbm>> -> memref<8x56xi32, #tpu.memory_space<hbm>>
    %dma_start3A_6 = arith.constant 0 : i32
    %dma_start3A_7 = tpu.memref_slice %arg2[%add3A_4, %dma_start3A_6] : memref<16384x128xi32, #tpu.memory_space<hbm>> -> memref<8x56xi32, #tpu.memory_space<hbm>>
    tpu.enqueue_dma source(%dma_start3A_7 : memref<8x56xi32, #tpu.memory_space<hbm>>) target(%arg5 : memref<8x56xi32, #tpu.memory_space<vmem>>) target_semaphore(%arg9 : memref<!tpu.dma_semaphore, #tpu.memory_space<semaphore_mem>>)
    %add3A_8 = arith.constant 8 : i32
    %add3A_9 = arith.addi %mul3A_2, %add3A_8 : i32
    %dma_start3A_10 = arith.constant 0 : i32
    %dma_start3A_11 = tpu.memref_slice %arg2[%add3A_9, %dma_start3A_10] : memref<16384x128xi32, #tpu.memory_space<hbm>> -> memref<8x56xi32, #tpu.memory_space<hbm>>
    %dma_start3A_12 = arith.constant 0 : i32
    %dma_start3A_13 = tpu.memref_slice %arg2[%add3A_9, %dma_start3A_12] : memref<16384x128xi32, #tpu.memory_space<hbm>> -> memref<8x56xi32, #tpu.memory_space<hbm>>
    tpu.enqueue_dma source(%dma_start3A_13 : memref<8x56xi32, #tpu.memory_space<hbm>>) target(%arg6 : memref<8x56xi32, #tpu.memory_space<vmem>>) target_semaphore(%arg10 : memref<!tpu.dma_semaphore, #tpu.memory_space<semaphore_mem>>)
    %dma_wait3A = arith.constant 0 : i32
    %dma_wait3A_14 = arith.constant 0 : i32
    %dma_wait3A_15 = tpu.memref_slice %arg2[%dma_wait3A, %dma_wait3A_14] : memref<16384x128xi32, #tpu.memory_space<hbm>> -> memref<8x56xi32, #tpu.memory_space<hbm>>
    %dma_wait3A_16 = arith.constant 0 : i32
    %dma_wait3A_17 = arith.constant 0 : i32
    %dma_wait3A_18 = tpu.memref_slice %arg2[%dma_wait3A_16, %dma_wait3A_17] : memref<16384x128xi32, #tpu.memory_space<hbm>> -> memref<8x56xi32, #tpu.memory_space<hbm>>
    tpu.wait_dma2 semaphore(%arg9 : memref<!tpu.dma_semaphore, #tpu.memory_space<semaphore_mem>>) src(%dma_wait3A_18 : memref<8x56xi32, #tpu.memory_space<hbm>>) dst(%arg5 : memref<8x56xi32, #tpu.memory_space<vmem>>)
    %dma_start3A_19 = arith.constant 0 : i32
    %dma_start3A_20 = arith.constant 0 : i32
    %dma_start3A_21 = arith.constant 0 : i32
    %dma_start3A_22 = arith.constant 0 : i32
    %dma_start3A_23 = tpu.memref_slice %arg7[%dma_start3A_20, %dma_start3A_21, %dma_start3A_22] : memref<8x56x32xf32, #tpu.memory_space<vmem>> -> memref<1x56x32xf32, #tpu.memory_space<vmem>>
    %dma_start3A_24 = tpu.memref_squeeze %dma_start3A_23 : memref<1x56x32xf32, #tpu.memory_space<vmem>> -> memref<56x32xf32, #tpu.memory_space<vmem>>
    %dma_start3A_25 = arith.constant 0 : i32
    %dma_start3A_26 = tpu.memref_slice %arg5[%dma_start3A_19, %dma_start3A_25] : memref<8x56xi32, #tpu.memory_space<vmem>> -> memref<1x56xi32, #tpu.memory_space<vmem>>
    %dma_start3A_27 = tpu.memref_squeeze %dma_start3A_26 : memref<1x56xi32, #tpu.memory_space<vmem>> -> memref<56xi32, #tpu.memory_space<vmem>>
    %dma_start3A_28 = arith.constant 0 : i32
    %dma_start3A_29 = arith.constant 0 : i32
    %dma_start3A_30 = tpu.memref_slice %arg3[%dma_start3A_28, %dma_start3A_29] : memref<1000000x32xf32, #tpu.memory_space<hbm>> -> memref<1000000x32xf32, #tpu.memory_space<hbm>>
    tpu.enqueue_indirect_dma source(%dma_start3A_30 : memref<1000000x32xf32, #tpu.memory_space<hbm>>) target(%dma_start3A_24 : memref<56x32xf32, #tpu.memory_space<vmem>>) offsets(%dma_start3A_27 : memref<56xi32, #tpu.memory_space<vmem>>) semaphore(%arg11 : memref<!tpu.dma_semaphore, #tpu.memory_space<semaphore_mem>>)
    %dma_start3A_31 = arith.constant 1 : i32
    %dma_start3A_32 = arith.constant 1 : i32
    %dma_start3A_33 = arith.constant 0 : i32
    %dma_start3A_34 = arith.constant 0 : i32
    %dma_start3A_35 = tpu.memref_slice %arg7[%dma_start3A_32, %dma_start3A_33, %dma_start3A_34] : memref<8x56x32xf32, #tpu.memory_space<vmem>> -> memref<1x56x32xf32, #tpu.memory_space<vmem>>
    %dma_start3A_36 = tpu.memref_squeeze %dma_start3A_35 : memref<1x56x32xf32, #tpu.memory_space<vmem>> -> memref<56x32xf32, #tpu.memory_space<vmem>>
    %dma_start3A_37 = arith.constant 0 : i32
    %dma_start3A_38 = tpu.memref_slice %arg5[%dma_start3A_31, %dma_start3A_37] : memref<8x56xi32, #tpu.memory_space<vmem>> -> memref<1x56xi32, #tpu.memory_space<vmem>>
    %dma_start3A_39 = tpu.memref_squeeze %dma_start3A_38 : memref<1x56xi32, #tpu.memory_space<vmem>> -> memref<56xi32, #tpu.memory_space<vmem>>
    %dma_start3A_40 = arith.constant 0 : i32
    %dma_start3A_41 = arith.constant 0 : i32
    %dma_start3A_42 = tpu.memref_slice %arg3[%dma_start3A_40, %dma_start3A_41] : memref<1000000x32xf32, #tpu.memory_space<hbm>> -> memref<1000000x32xf32, #tpu.memory_space<hbm>>
    tpu.enqueue_indirect_dma source(%dma_start3A_42 : memref<1000000x32xf32, #tpu.memory_space<hbm>>) target(%dma_start3A_36 : memref<56x32xf32, #tpu.memory_space<vmem>>) offsets(%dma_start3A_39 : memref<56xi32, #tpu.memory_space<vmem>>) semaphore(%arg11 : memref<!tpu.dma_semaphore, #tpu.memory_space<semaphore_mem>>)
    %dma_start3A_43 = arith.constant 2 : i32
    %dma_start3A_44 = arith.constant 2 : i32
    %dma_start3A_45 = arith.constant 0 : i32
    %dma_start3A_46 = arith.constant 0 : i32
    %dma_start3A_47 = tpu.memref_slice %arg7[%dma_start3A_44, %dma_start3A_45, %dma_start3A_46] : memref<8x56x32xf32, #tpu.memory_space<vmem>> -> memref<1x56x32xf32, #tpu.memory_space<vmem>>
    %dma_start3A_48 = tpu.memref_squeeze %dma_start3A_47 : memref<1x56x32xf32, #tpu.memory_space<vmem>> -> memref<56x32xf32, #tpu.memory_space<vmem>>
    %dma_start3A_49 = arith.constant 0 : i32
    %dma_start3A_50 = tpu.memref_slice %arg5[%dma_start3A_43, %dma_start3A_49] : memref<8x56xi32, #tpu.memory_space<vmem>> -> memref<1x56xi32, #tpu.memory_space<vmem>>
    %dma_start3A_51 = tpu.memref_squeeze %dma_start3A_50 : memref<1x56xi32, #tpu.memory_space<vmem>> -> memref<56xi32, #tpu.memory_space<vmem>>
    %dma_start3A_52 = arith.constant 0 : i32
    %dma_start3A_53 = arith.constant 0 : i32
    %dma_start3A_54 = tpu.memref_slice %arg3[%dma_start3A_52, %dma_start3A_53] : memref<1000000x32xf32, #tpu.memory_space<hbm>> -> memref<1000000x32xf32, #tpu.memory_space<hbm>>
    tpu.enqueue_indirect_dma source(%dma_start3A_54 : memref<1000000x32xf32, #tpu.memory_space<hbm>>) target(%dma_start3A_48 : memref<56x32xf32, #tpu.memory_space<vmem>>) offsets(%dma_start3A_51 : memref<56xi32, #tpu.memory_space<vmem>>) semaphore(%arg11 : memref<!tpu.dma_semaphore, #tpu.memory_space<semaphore_mem>>)
    %dma_start3A_55 = arith.constant 3 : i32
    %dma_start3A_56 = arith.constant 3 : i32
    %dma_start3A_57 = arith.constant 0 : i32
    %dma_start3A_58 = arith.constant 0 : i32
    %dma_start3A_59 = tpu.memref_slice %arg7[%dma_start3A_56, %dma_start3A_57, %dma_start3A_58] : memref<8x56x32xf32, #tpu.memory_space<vmem>> -> memref<1x56x32xf32, #tpu.memory_space<vmem>>
    %dma_start3A_60 = tpu.memref_squeeze %dma_start3A_59 : memref<1x56x32xf32, #tpu.memory_space<vmem>> -> memref<56x32xf32, #tpu.memory_space<vmem>>
    %dma_start3A_61 = arith.constant 0 : i32
    %dma_start3A_62 = tpu.memref_slice %arg5[%dma_start3A_55, %dma_start3A_61] : memref<8x56xi32, #tpu.memory_space<vmem>> -> memref<1x56xi32, #tpu.memory_space<vmem>>
    %dma_start3A_63 = tpu.memref_squeeze %dma_start3A_62 : memref<1x56xi32, #tpu.memory_space<vmem>> -> memref<56xi32, #tpu.memory_space<vmem>>
    %dma_start3A_64 = arith.constant 0 : i32
    %dma_start3A_65 = arith.constant 0 : i32
    %dma_start3A_66 = tpu.memref_slice %arg3[%dma_start3A_64, %dma_start3A_65] : memref<1000000x32xf32, #tpu.memory_space<hbm>> -> memref<1000000x32xf32, #tpu.memory_space<hbm>>
    tpu.enqueue_indirect_dma source(%dma_start3A_66 : memref<1000000x32xf32, #tpu.memory_space<hbm>>) target(%dma_start3A_60 : memref<56x32xf32, #tpu.memory_space<vmem>>) offsets(%dma_start3A_63 : memref<56xi32, #tpu.memory_space<vmem>>) semaphore(%arg11 : memref<!tpu.dma_semaphore, #tpu.memory_space<semaphore_mem>>)
    %dma_start3A_67 = arith.constant 4 : i32
    %dma_start3A_68 = arith.constant 4 : i32
    %dma_start3A_69 = arith.constant 0 : i32
    %dma_start3A_70 = arith.constant 0 : i32
    %dma_start3A_71 = tpu.memref_slice %arg7[%dma_start3A_68, %dma_start3A_69, %dma_start3A_70] : memref<8x56x32xf32, #tpu.memory_space<vmem>> -> memref<1x56x32xf32, #tpu.memory_space<vmem>>
    %dma_start3A_72 = tpu.memref_squeeze %dma_start3A_71 : memref<1x56x32xf32, #tpu.memory_space<vmem>> -> memref<56x32xf32, #tpu.memory_space<vmem>>
    %dma_start3A_73 = arith.constant 0 : i32
    %dma_start3A_74 = tpu.memref_slice %arg5[%dma_start3A_67, %dma_start3A_73] : memref<8x56xi32, #tpu.memory_space<vmem>> -> memref<1x56xi32, #tpu.memory_space<vmem>>
    %dma_start3A_75 = tpu.memref_squeeze %dma_start3A_74 : memref<1x56xi32, #tpu.memory_space<vmem>> -> memref<56xi32, #tpu.memory_space<vmem>>
    %dma_start3A_76 = arith.constant 0 : i32
    %dma_start3A_77 = arith.constant 0 : i32
    %dma_start3A_78 = tpu.memref_slice %arg3[%dma_start3A_76, %dma_start3A_77] : memref<1000000x32xf32, #tpu.memory_space<hbm>> -> memref<1000000x32xf32, #tpu.memory_space<hbm>>
    tpu.enqueue_indirect_dma source(%dma_start3A_78 : memref<1000000x32xf32, #tpu.memory_space<hbm>>) target(%dma_start3A_72 : memref<56x32xf32, #tpu.memory_space<vmem>>) offsets(%dma_start3A_75 : memref<56xi32, #tpu.memory_space<vmem>>) semaphore(%arg11 : memref<!tpu.dma_semaphore, #tpu.memory_space<semaphore_mem>>)
    %dma_start3A_79 = arith.constant 5 : i32
    %dma_start3A_80 = arith.constant 5 : i32
    %dma_start3A_81 = arith.constant 0 : i32
    %dma_start3A_82 = arith.constant 0 : i32
    %dma_start3A_83 = tpu.memref_slice %arg7[%dma_start3A_80, %dma_start3A_81, %dma_start3A_82] : memref<8x56x32xf32, #tpu.memory_space<vmem>> -> memref<1x56x32xf32, #tpu.memory_space<vmem>>
    %dma_start3A_84 = tpu.memref_squeeze %dma_start3A_83 : memref<1x56x32xf32, #tpu.memory_space<vmem>> -> memref<56x32xf32, #tpu.memory_space<vmem>>
    %dma_start3A_85 = arith.constant 0 : i32
    %dma_start3A_86 = tpu.memref_slice %arg5[%dma_start3A_79, %dma_start3A_85] : memref<8x56xi32, #tpu.memory_space<vmem>> -> memref<1x56xi32, #tpu.memory_space<vmem>>
    %dma_start3A_87 = tpu.memref_squeeze %dma_start3A_86 : memref<1x56xi32, #tpu.memory_space<vmem>> -> memref<56xi32, #tpu.memory_space<vmem>>
    %dma_start3A_88 = arith.constant 0 : i32
    %dma_start3A_89 = arith.constant 0 : i32
    %dma_start3A_90 = tpu.memref_slice %arg3[%dma_start3A_88, %dma_start3A_89] : memref<1000000x32xf32, #tpu.memory_space<hbm>> -> memref<1000000x32xf32, #tpu.memory_space<hbm>>
    tpu.enqueue_indirect_dma source(%dma_start3A_90 : memref<1000000x32xf32, #tpu.memory_space<hbm>>) target(%dma_start3A_84 : memref<56x32xf32, #tpu.memory_space<vmem>>) offsets(%dma_start3A_87 : memref<56xi32, #tpu.memory_space<vmem>>) semaphore(%arg11 : memref<!tpu.dma_semaphore, #tpu.memory_space<semaphore_mem>>)
    %dma_start3A_91 = arith.constant 6 : i32
    %dma_start3A_92 = arith.constant 6 : i32
    %dma_start3A_93 = arith.constant 0 : i32
    %dma_start3A_94 = arith.constant 0 : i32
    %dma_start3A_95 = tpu.memref_slice %arg7[%dma_start3A_92, %dma_start3A_93, %dma_start3A_94] : memref<8x56x32xf32, #tpu.memory_space<vmem>> -> memref<1x56x32xf32, #tpu.memory_space<vmem>>
    %dma_start3A_96 = tpu.memref_squeeze %dma_start3A_95 : memref<1x56x32xf32, #tpu.memory_space<vmem>> -> memref<56x32xf32, #tpu.memory_space<vmem>>
    %dma_start3A_97 = arith.constant 0 : i32
    %dma_start3A_98 = tpu.memref_slice %arg5[%dma_start3A_91, %dma_start3A_97] : memref<8x56xi32, #tpu.memory_space<vmem>> -> memref<1x56xi32, #tpu.memory_space<vmem>>
    %dma_start3A_99 = tpu.memref_squeeze %dma_start3A_98 : memref<1x56xi32, #tpu.memory_space<vmem>> -> memref<56xi32, #tpu.memory_space<vmem>>
    %dma_start3A_100 = arith.constant 0 : i32
    %dma_start3A_101 = arith.constant 0 : i32
    %dma_start3A_102 = tpu.memref_slice %arg3[%dma_start3A_100, %dma_start3A_101] : memref<1000000x32xf32, #tpu.memory_space<hbm>> -> memref<1000000x32xf32, #tpu.memory_space<hbm>>
    tpu.enqueue_indirect_dma source(%dma_start3A_102 : memref<1000000x32xf32, #tpu.memory_space<hbm>>) target(%dma_start3A_96 : memref<56x32xf32, #tpu.memory_space<vmem>>) offsets(%dma_start3A_99 : memref<56xi32, #tpu.memory_space<vmem>>) semaphore(%arg11 : memref<!tpu.dma_semaphore, #tpu.memory_space<semaphore_mem>>)
    %dma_start3A_103 = arith.constant 7 : i32
    %dma_start3A_104 = arith.constant 7 : i32
    %dma_start3A_105 = arith.constant 0 : i32
    %dma_start3A_106 = arith.constant 0 : i32
    %dma_start3A_107 = tpu.memref_slice %arg7[%dma_start3A_104, %dma_start3A_105, %dma_start3A_106] : memref<8x56x32xf32, #tpu.memory_space<vmem>> -> memref<1x56x32xf32, #tpu.memory_space<vmem>>
    %dma_start3A_108 = tpu.memref_squeeze %dma_start3A_107 : memref<1x56x32xf32, #tpu.memory_space<vmem>> -> memref<56x32xf32, #tpu.memory_space<vmem>>
    %dma_start3A_109 = arith.constant 0 : i32
    %dma_start3A_110 = tpu.memref_slice %arg5[%dma_start3A_103, %dma_start3A_109] : memref<8x56xi32, #tpu.memory_space<vmem>> -> memref<1x56xi32, #tpu.memory_space<vmem>>
    %dma_start3A_111 = tpu.memref_squeeze %dma_start3A_110 : memref<1x56xi32, #tpu.memory_space<vmem>> -> memref<56xi32, #tpu.memory_space<vmem>>
    %dma_start3A_112 = arith.constant 0 : i32
    %dma_start3A_113 = arith.constant 0 : i32
    %dma_start3A_114 = tpu.memref_slice %arg3[%dma_start3A_112, %dma_start3A_113] : memref<1000000x32xf32, #tpu.memory_space<hbm>> -> memref<1000000x32xf32, #tpu.memory_space<hbm>>
    tpu.enqueue_indirect_dma source(%dma_start3A_114 : memref<1000000x32xf32, #tpu.memory_space<hbm>>) target(%dma_start3A_108 : memref<56x32xf32, #tpu.memory_space<vmem>>) offsets(%dma_start3A_111 : memref<56xi32, #tpu.memory_space<vmem>>) semaphore(%arg11 : memref<!tpu.dma_semaphore, #tpu.memory_space<semaphore_mem>>)
    %dma_wait3A_115 = arith.constant 0 : i32
    %dma_wait3A_116 = arith.constant 0 : i32
    %dma_wait3A_117 = tpu.memref_slice %arg2[%dma_wait3A_115, %dma_wait3A_116] : memref<16384x128xi32, #tpu.memory_space<hbm>> -> memref<8x56xi32, #tpu.memory_space<hbm>>
    %dma_wait3A_118 = arith.constant 0 : i32
    %dma_wait3A_119 = arith.constant 0 : i32
    %dma_wait3A_120 = tpu.memref_slice %arg2[%dma_wait3A_118, %dma_wait3A_119] : memref<16384x128xi32, #tpu.memory_space<hbm>> -> memref<8x56xi32, #tpu.memory_space<hbm>>
    tpu.wait_dma2 semaphore(%arg10 : memref<!tpu.dma_semaphore, #tpu.memory_space<semaphore_mem>>) src(%dma_wait3A_120 : memref<8x56xi32, #tpu.memory_space<hbm>>) dst(%arg6 : memref<8x56xi32, #tpu.memory_space<vmem>>)
    %dma_start3A_121 = arith.constant 0 : i32
    %dma_start3A_122 = arith.constant 0 : i32
    %dma_start3A_123 = arith.constant 0 : i32
    %dma_start3A_124 = arith.constant 0 : i32
    %dma_start3A_125 = tpu.memref_slice %arg8[%dma_start3A_122, %dma_start3A_123, %dma_start3A_124] : memref<8x56x32xf32, #tpu.memory_space<vmem>> -> memref<1x56x32xf32, #tpu.memory_space<vmem>>
    %dma_start3A_126 = tpu.memref_squeeze %dma_start3A_125 : memref<1x56x32xf32, #tpu.memory_space<vmem>> -> memref<56x32xf32, #tpu.memory_space<vmem>>
    %dma_start3A_127 = arith.constant 0 : i32
    %dma_start3A_128 = tpu.memref_slice %arg6[%dma_start3A_121, %dma_start3A_127] : memref<8x56xi32, #tpu.memory_space<vmem>> -> memref<1x56xi32, #tpu.memory_space<vmem>>
    %dma_start3A_129 = tpu.memref_squeeze %dma_start3A_128 : memref<1x56xi32, #tpu.memory_space<vmem>> -> memref<56xi32, #tpu.memory_space<vmem>>
    %dma_start3A_130 = arith.constant 0 : i32
    %dma_start3A_131 = arith.constant 0 : i32
    %dma_start3A_132 = tpu.memref_slice %arg3[%dma_start3A_130, %dma_start3A_131] : memref<1000000x32xf32, #tpu.memory_space<hbm>> -> memref<1000000x32xf32, #tpu.memory_space<hbm>>
    tpu.enqueue_indirect_dma source(%dma_start3A_132 : memref<1000000x32xf32, #tpu.memory_space<hbm>>) target(%dma_start3A_126 : memref<56x32xf32, #tpu.memory_space<vmem>>) offsets(%dma_start3A_129 : memref<56xi32, #tpu.memory_space<vmem>>) semaphore(%arg12 : memref<!tpu.dma_semaphore, #tpu.memory_space<semaphore_mem>>)
    %dma_start3A_133 = arith.constant 1 : i32
    %dma_start3A_134 = arith.constant 1 : i32
    %dma_start3A_135 = arith.constant 0 : i32
    %dma_start3A_136 = arith.constant 0 : i32
    %dma_start3A_137 = tpu.memref_slice %arg8[%dma_start3A_134, %dma_start3A_135, %dma_start3A_136] : memref<8x56x32xf32, #tpu.memory_space<vmem>> -> memref<1x56x32xf32, #tpu.memory_space<vmem>>
    %dma_start3A_138 = tpu.memref_squeeze %dma_start3A_137 : memref<1x56x32xf32, #tpu.memory_space<vmem>> -> memref<56x32xf32, #tpu.memory_space<vmem>>
    %dma_start3A_139 = arith.constant 0 : i32
    %dma_start3A_140 = tpu.memref_slice %arg6[%dma_start3A_133, %dma_start3A_139] : memref<8x56xi32, #tpu.memory_space<vmem>> -> memref<1x56xi32, #tpu.memory_space<vmem>>
    %dma_start3A_141 = tpu.memref_squeeze %dma_start3A_140 : memref<1x56xi32, #tpu.memory_space<vmem>> -> memref<56xi32, #tpu.memory_space<vmem>>
    %dma_start3A_142 = arith.constant 0 : i32
    %dma_start3A_143 = arith.constant 0 : i32
    %dma_start3A_144 = tpu.memref_slice %arg3[%dma_start3A_142, %dma_start3A_143] : memref<1000000x32xf32, #tpu.memory_space<hbm>> -> memref<1000000x32xf32, #tpu.memory_space<hbm>>
    tpu.enqueue_indirect_dma source(%dma_start3A_144 : memref<1000000x32xf32, #tpu.memory_space<hbm>>) target(%dma_start3A_138 : memref<56x32xf32, #tpu.memory_space<vmem>>) offsets(%dma_start3A_141 : memref<56xi32, #tpu.memory_space<vmem>>) semaphore(%arg12 : memref<!tpu.dma_semaphore, #tpu.memory_space<semaphore_mem>>)
    %dma_start3A_145 = arith.constant 2 : i32
    %dma_start3A_146 = arith.constant 2 : i32
    %dma_start3A_147 = arith.constant 0 : i32
    %dma_start3A_148 = arith.constant 0 : i32
    %dma_start3A_149 = tpu.memref_slice %arg8[%dma_start3A_146, %dma_start3A_147, %dma_start3A_148] : memref<8x56x32xf32, #tpu.memory_space<vmem>> -> memref<1x56x32xf32, #tpu.memory_space<vmem>>
    %dma_start3A_150 = tpu.memref_squeeze %dma_start3A_149 : memref<1x56x32xf32, #tpu.memory_space<vmem>> -> memref<56x32xf32, #tpu.memory_space<vmem>>
    %dma_start3A_151 = arith.constant 0 : i32
    %dma_start3A_152 = tpu.memref_slice %arg6[%dma_start3A_145, %dma_start3A_151] : memref<8x56xi32, #tpu.memory_space<vmem>> -> memref<1x56xi32, #tpu.memory_space<vmem>>
    %dma_start3A_153 = tpu.memref_squeeze %dma_start3A_152 : memref<1x56xi32, #tpu.memory_space<vmem>> -> memref<56xi32, #tpu.memory_space<vmem>>
    %dma_start3A_154 = arith.constant 0 : i32
    %dma_start3A_155 = arith.constant 0 : i32
    %dma_start3A_156 = tpu.memref_slice %arg3[%dma_start3A_154, %dma_start3A_155] : memref<1000000x32xf32, #tpu.memory_space<hbm>> -> memref<1000000x32xf32, #tpu.memory_space<hbm>>
    tpu.enqueue_indirect_dma source(%dma_start3A_156 : memref<1000000x32xf32, #tpu.memory_space<hbm>>) target(%dma_start3A_150 : memref<56x32xf32, #tpu.memory_space<vmem>>) offsets(%dma_start3A_153 : memref<56xi32, #tpu.memory_space<vmem>>) semaphore(%arg12 : memref<!tpu.dma_semaphore, #tpu.memory_space<semaphore_mem>>)
    %dma_start3A_157 = arith.constant 3 : i32
    %dma_start3A_158 = arith.constant 3 : i32
    %dma_start3A_159 = arith.constant 0 : i32
    %dma_start3A_160 = arith.constant 0 : i32
    %dma_start3A_161 = tpu.memref_slice %arg8[%dma_start3A_158, %dma_start3A_159, %dma_start3A_160] : memref<8x56x32xf32, #tpu.memory_space<vmem>> -> memref<1x56x32xf32, #tpu.memory_space<vmem>>
    %dma_start3A_162 = tpu.memref_squeeze %dma_start3A_161 : memref<1x56x32xf32, #tpu.memory_space<vmem>> -> memref<56x32xf32, #tpu.memory_space<vmem>>
    %dma_start3A_163 = arith.constant 0 : i32
    %dma_start3A_164 = tpu.memref_slice %arg6[%dma_start3A_157, %dma_start3A_163] : memref<8x56xi32, #tpu.memory_space<vmem>> -> memref<1x56xi32, #tpu.memory_space<vmem>>
    %dma_start3A_165 = tpu.memref_squeeze %dma_start3A_164 : memref<1x56xi32, #tpu.memory_space<vmem>> -> memref<56xi32, #tpu.memory_space<vmem>>
    %dma_start3A_166 = arith.constant 0 : i32
    %dma_start3A_167 = arith.constant 0 : i32
    %dma_start3A_168 = tpu.memref_slice %arg3[%dma_start3A_166, %dma_start3A_167] : memref<1000000x32xf32, #tpu.memory_space<hbm>> -> memref<1000000x32xf32, #tpu.memory_space<hbm>>
    tpu.enqueue_indirect_dma source(%dma_start3A_168 : memref<1000000x32xf32, #tpu.memory_space<hbm>>) target(%dma_start3A_162 : memref<56x32xf32, #tpu.memory_space<vmem>>) offsets(%dma_start3A_165 : memref<56xi32, #tpu.memory_space<vmem>>) semaphore(%arg12 : memref<!tpu.dma_semaphore, #tpu.memory_space<semaphore_mem>>)
    %dma_start3A_169 = arith.constant 4 : i32
    %dma_start3A_170 = arith.constant 4 : i32
    %dma_start3A_171 = arith.constant 0 : i32
    %dma_start3A_172 = arith.constant 0 : i32
    %dma_start3A_173 = tpu.memref_slice %arg8[%dma_start3A_170, %dma_start3A_171, %dma_start3A_172] : memref<8x56x32xf32, #tpu.memory_space<vmem>> -> memref<1x56x32xf32, #tpu.memory_space<vmem>>
    %dma_start3A_174 = tpu.memref_squeeze %dma_start3A_173 : memref<1x56x32xf32, #tpu.memory_space<vmem>> -> memref<56x32xf32, #tpu.memory_space<vmem>>
    %dma_start3A_175 = arith.constant 0 : i32
    %dma_start3A_176 = tpu.memref_slice %arg6[%dma_start3A_169, %dma_start3A_175] : memref<8x56xi32, #tpu.memory_space<vmem>> -> memref<1x56xi32, #tpu.memory_space<vmem>>
    %dma_start3A_177 = tpu.memref_squeeze %dma_start3A_176 : memref<1x56xi32, #tpu.memory_space<vmem>> -> memref<56xi32, #tpu.memory_space<vmem>>
    %dma_start3A_178 = arith.constant 0 : i32
    %dma_start3A_179 = arith.constant 0 : i32
    %dma_start3A_180 = tpu.memref_slice %arg3[%dma_start3A_178, %dma_start3A_179] : memref<1000000x32xf32, #tpu.memory_space<hbm>> -> memref<1000000x32xf32, #tpu.memory_space<hbm>>
    tpu.enqueue_indirect_dma source(%dma_start3A_180 : memref<1000000x32xf32, #tpu.memory_space<hbm>>) target(%dma_start3A_174 : memref<56x32xf32, #tpu.memory_space<vmem>>) offsets(%dma_start3A_177 : memref<56xi32, #tpu.memory_space<vmem>>) semaphore(%arg12 : memref<!tpu.dma_semaphore, #tpu.memory_space<semaphore_mem>>)
    %dma_start3A_181 = arith.constant 5 : i32
    %dma_start3A_182 = arith.constant 5 : i32
    %dma_start3A_183 = arith.constant 0 : i32
    %dma_start3A_184 = arith.constant 0 : i32
    %dma_start3A_185 = tpu.memref_slice %arg8[%dma_start3A_182, %dma_start3A_183, %dma_start3A_184] : memref<8x56x32xf32, #tpu.memory_space<vmem>> -> memref<1x56x32xf32, #tpu.memory_space<vmem>>
    %dma_start3A_186 = tpu.memref_squeeze %dma_start3A_185 : memref<1x56x32xf32, #tpu.memory_space<vmem>> -> memref<56x32xf32, #tpu.memory_space<vmem>>
    %dma_start3A_187 = arith.constant 0 : i32
    %dma_start3A_188 = tpu.memref_slice %arg6[%dma_start3A_181, %dma_start3A_187] : memref<8x56xi32, #tpu.memory_space<vmem>> -> memref<1x56xi32, #tpu.memory_space<vmem>>
    %dma_start3A_189 = tpu.memref_squeeze %dma_start3A_188 : memref<1x56xi32, #tpu.memory_space<vmem>> -> memref<56xi32, #tpu.memory_space<vmem>>
    %dma_start3A_190 = arith.constant 0 : i32
    %dma_start3A_191 = arith.constant 0 : i32
    %dma_start3A_192 = tpu.memref_slice %arg3[%dma_start3A_190, %dma_start3A_191] : memref<1000000x32xf32, #tpu.memory_space<hbm>> -> memref<1000000x32xf32, #tpu.memory_space<hbm>>
    tpu.enqueue_indirect_dma source(%dma_start3A_192 : memref<1000000x32xf32, #tpu.memory_space<hbm>>) target(%dma_start3A_186 : memref<56x32xf32, #tpu.memory_space<vmem>>) offsets(%dma_start3A_189 : memref<56xi32, #tpu.memory_space<vmem>>) semaphore(%arg12 : memref<!tpu.dma_semaphore, #tpu.memory_space<semaphore_mem>>)
    %dma_start3A_193 = arith.constant 6 : i32
    %dma_start3A_194 = arith.constant 6 : i32
    %dma_start3A_195 = arith.constant 0 : i32
    %dma_start3A_196 = arith.constant 0 : i32
    %dma_start3A_197 = tpu.memref_slice %arg8[%dma_start3A_194, %dma_start3A_195, %dma_start3A_196] : memref<8x56x32xf32, #tpu.memory_space<vmem>> -> memref<1x56x32xf32, #tpu.memory_space<vmem>>
    %dma_start3A_198 = tpu.memref_squeeze %dma_start3A_197 : memref<1x56x32xf32, #tpu.memory_space<vmem>> -> memref<56x32xf32, #tpu.memory_space<vmem>>
    %dma_start3A_199 = arith.constant 0 : i32
    %dma_start3A_200 = tpu.memref_slice %arg6[%dma_start3A_193, %dma_start3A_199] : memref<8x56xi32, #tpu.memory_space<vmem>> -> memref<1x56xi32, #tpu.memory_space<vmem>>
    %dma_start3A_201 = tpu.memref_squeeze %dma_start3A_200 : memref<1x56xi32, #tpu.memory_space<vmem>> -> memref<56xi32, #tpu.memory_space<vmem>>
    %dma_start3A_202 = arith.constant 0 : i32
    %dma_start3A_203 = arith.constant 0 : i32
    %dma_start3A_204 = tpu.memref_slice %arg3[%dma_start3A_202, %dma_start3A_203] : memref<1000000x32xf32, #tpu.memory_space<hbm>> -> memref<1000000x32xf32, #tpu.memory_space<hbm>>
    tpu.enqueue_indirect_dma source(%dma_start3A_204 : memref<1000000x32xf32, #tpu.memory_space<hbm>>) target(%dma_start3A_198 : memref<56x32xf32, #tpu.memory_space<vmem>>) offsets(%dma_start3A_201 : memref<56xi32, #tpu.memory_space<vmem>>) semaphore(%arg12 : memref<!tpu.dma_semaphore, #tpu.memory_space<semaphore_mem>>)
    %dma_start3A_205 = arith.constant 7 : i32
    %dma_start3A_206 = arith.constant 7 : i32
    %dma_start3A_207 = arith.constant 0 : i32
    %dma_start3A_208 = arith.constant 0 : i32
    %dma_start3A_209 = tpu.memref_slice %arg8[%dma_start3A_206, %dma_start3A_207, %dma_start3A_208] : memref<8x56x32xf32, #tpu.memory_space<vmem>> -> memref<1x56x32xf32, #tpu.memory_space<vmem>>
    %dma_start3A_210 = tpu.memref_squeeze %dma_start3A_209 : memref<1x56x32xf32, #tpu.memory_space<vmem>> -> memref<56x32xf32, #tpu.memory_space<vmem>>
    %dma_start3A_211 = arith.constant 0 : i32
    %dma_start3A_212 = tpu.memref_slice %arg6[%dma_start3A_205, %dma_start3A_211] : memref<8x56xi32, #tpu.memory_space<vmem>> -> memref<1x56xi32, #tpu.memory_space<vmem>>
    %dma_start3A_213 = tpu.memref_squeeze %dma_start3A_212 : memref<1x56xi32, #tpu.memory_space<vmem>> -> memref<56xi32, #tpu.memory_space<vmem>>
    %dma_start3A_214 = arith.constant 0 : i32
    %dma_start3A_215 = arith.constant 0 : i32
    %dma_start3A_216 = tpu.memref_slice %arg3[%dma_start3A_214, %dma_start3A_215] : memref<1000000x32xf32, #tpu.memory_space<hbm>> -> memref<1000000x32xf32, #tpu.memory_space<hbm>>
    tpu.enqueue_indirect_dma source(%dma_start3A_216 : memref<1000000x32xf32, #tpu.memory_space<hbm>>) target(%dma_start3A_210 : memref<56x32xf32, #tpu.memory_space<vmem>>) offsets(%dma_start3A_213 : memref<56xi32, #tpu.memory_space<vmem>>) semaphore(%arg12 : memref<!tpu.dma_semaphore, #tpu.memory_space<semaphore_mem>>)
    %dma_wait3A_217 = arith.constant 0 : i32
    %dma_wait3A_218 = arith.constant 0 : i32
    %dma_wait3A_219 = arith.constant 0 : i32
    %dma_wait3A_220 = tpu.memref_slice %arg4[%dma_wait3A_217, %dma_wait3A_218, %dma_wait3A_219] : memref<16384x56x128xf32, #tpu.memory_space<hbm>> -> memref<8x56x32xf32, #tpu.memory_space<hbm>>
    %dma_wait3A_221 = arith.constant 0 : i32
    %dma_wait3A_222 = arith.constant 0 : i32
    %dma_wait3A_223 = arith.constant 0 : i32
    %dma_wait3A_224 = tpu.memref_slice %arg4[%dma_wait3A_221, %dma_wait3A_222, %dma_wait3A_223] : memref<16384x56x128xf32, #tpu.memory_space<hbm>> -> memref<8x56x32xf32, #tpu.memory_space<hbm>>
    tpu.wait_dma2 semaphore(%arg11 : memref<!tpu.dma_semaphore, #tpu.memory_space<semaphore_mem>>) src(%dma_wait3A_224 : memref<8x56x32xf32, #tpu.memory_space<hbm>>) dst(%arg7 : memref<8x56x32xf32, #tpu.memory_space<vmem>>)
    %add3A_225 = arith.constant 0 : i32
    %add3A_226 = arith.addi %mul3A_2, %add3A_225 : i32
    %dma_start3A_227 = arith.constant 0 : i32
    %dma_start3A_228 = arith.constant 0 : i32
    %dma_start3A_229 = tpu.memref_slice %arg4[%add3A_226, %dma_start3A_227, %dma_start3A_228] : memref<16384x56x128xf32, #tpu.memory_space<hbm>> -> memref<8x56x32xf32, #tpu.memory_space<hbm>>
    %dma_start3A_230 = arith.constant 0 : i32
    %dma_start3A_231 = arith.constant 0 : i32
    %dma_start3A_232 = tpu.memref_slice %arg4[%add3A_226, %dma_start3A_230, %dma_start3A_231] : memref<16384x56x128xf32, #tpu.memory_space<hbm>> -> memref<8x56x32xf32, #tpu.memory_space<hbm>>
    tpu.enqueue_dma source(%arg7 : memref<8x56x32xf32, #tpu.memory_space<vmem>>) target(%dma_start3A_232 : memref<8x56x32xf32, #tpu.memory_space<hbm>>) target_semaphore(%arg13 : memref<!tpu.dma_semaphore, #tpu.memory_space<semaphore_mem>>)
    %add3A_233 = arith.constant 16 : i32
    %add3A_234 = arith.addi %mul3A_2, %add3A_233 : i32
    %dma_start3A_235 = arith.constant 0 : i32
    %dma_start3A_236 = tpu.memref_slice %arg2[%add3A_234, %dma_start3A_235] : memref<16384x128xi32, #tpu.memory_space<hbm>> -> memref<8x56xi32, #tpu.memory_space<hbm>>
    %dma_start3A_237 = arith.constant 0 : i32
    %dma_start3A_238 = tpu.memref_slice %arg2[%add3A_234, %dma_start3A_237] : memref<16384x128xi32, #tpu.memory_space<hbm>> -> memref<8x56xi32, #tpu.memory_space<hbm>>
    tpu.enqueue_dma source(%dma_start3A_238 : memref<8x56xi32, #tpu.memory_space<hbm>>) target(%arg5 : memref<8x56xi32, #tpu.memory_space<vmem>>) target_semaphore(%arg9 : memref<!tpu.dma_semaphore, #tpu.memory_space<semaphore_mem>>)
    %scan3A = arith.constant 0 : i32
    %scan3A_239 = arith.constant 1 : i32
    %scan3A_240 = arith.constant 31 : i32
    %scan3A_241 = arith.addi %scan3A_239, %scan3A_240 : i32
    %scan3A_242 = arith.constant 1 : i32
    scf.for %scan3A_276 = %scan3A_239 to %scan3A_241 step %scan3A_242  : i32 {
      %mul3A_277 = arith.constant 2 : i32
      %mul3A_278 = arith.muli %mul3A_277, %scan3A_276 : i32
      %add3A_279 = arith.constant 0 : i32
      %add3A_280 = arith.addi %mul3A_278, %add3A_279 : i32
      %dma_wait3A_281 = arith.constant 0 : i32
      %dma_wait3A_282 = arith.constant 0 : i32
      %dma_wait3A_283 = tpu.memref_slice %arg2[%dma_wait3A_281, %dma_wait3A_282] : memref<16384x128xi32, #tpu.memory_space<hbm>> -> memref<8x56xi32, #tpu.memory_space<hbm>>
      %dma_wait3A_284 = arith.constant 0 : i32
      %dma_wait3A_285 = arith.constant 0 : i32
      %dma_wait3A_286 = tpu.memref_slice %arg2[%dma_wait3A_284, %dma_wait3A_285] : memref<16384x128xi32, #tpu.memory_space<hbm>> -> memref<8x56xi32, #tpu.memory_space<hbm>>
      tpu.wait_dma2 semaphore(%arg9 : memref<!tpu.dma_semaphore, #tpu.memory_space<semaphore_mem>>) src(%dma_wait3A_286 : memref<8x56xi32, #tpu.memory_space<hbm>>) dst(%arg5 : memref<8x56xi32, #tpu.memory_space<vmem>>)
      %dma_wait3A_287 = arith.constant 0 : i32
      %dma_wait3A_288 = arith.constant 0 : i32
      %dma_wait3A_289 = arith.constant 0 : i32
      %dma_wait3A_290 = tpu.memref_slice %arg4[%dma_wait3A_287, %dma_wait3A_288, %dma_wait3A_289] : memref<16384x56x128xf32, #tpu.memory_space<hbm>> -> memref<8x56x32xf32, #tpu.memory_space<hbm>>
      %dma_wait3A_291 = arith.constant 0 : i32
      %dma_wait3A_292 = arith.constant 0 : i32
      %dma_wait3A_293 = arith.constant 0 : i32
      %dma_wait3A_294 = tpu.memref_slice %arg4[%dma_wait3A_291, %dma_wait3A_292, %dma_wait3A_293] : memref<16384x56x128xf32, #tpu.memory_space<hbm>> -> memref<8x56x32xf32, #tpu.memory_space<hbm>>
      tpu.wait_dma2 semaphore(%arg13 : memref<!tpu.dma_semaphore, #tpu.memory_space<semaphore_mem>>) src(%arg7 : memref<8x56x32xf32, #tpu.memory_space<vmem>>) dst(%dma_wait3A_294 : memref<8x56x32xf32, #tpu.memory_space<hbm>>)
      %dma_start3A_295 = arith.constant 0 : i32
      %dma_start3A_296 = arith.constant 0 : i32
      %dma_start3A_297 = arith.constant 0 : i32
      %dma_start3A_298 = arith.constant 0 : i32
      %dma_start3A_299 = tpu.memref_slice %arg7[%dma_start3A_296, %dma_start3A_297, %dma_start3A_298] : memref<8x56x32xf32, #tpu.memory_space<vmem>> -> memref<1x56x32xf32, #tpu.memory_space<vmem>>
      %dma_start3A_300 = tpu.memref_squeeze %dma_start3A_299 : memref<1x56x32xf32, #tpu.memory_space<vmem>> -> memref<56x32xf32, #tpu.memory_space<vmem>>
      %dma_start3A_301 = arith.constant 0 : i32
      %dma_start3A_302 = tpu.memref_slice %arg5[%dma_start3A_295, %dma_start3A_301] : memref<8x56xi32, #tpu.memory_space<vmem>> -> memref<1x56xi32, #tpu.memory_space<vmem>>
      %dma_start3A_303 = tpu.memref_squeeze %dma_start3A_302 : memref<1x56xi32, #tpu.memory_space<vmem>> -> memref<56xi32, #tpu.memory_space<vmem>>
      %dma_start3A_304 = arith.constant 0 : i32
      %dma_start3A_305 = arith.constant 0 : i32
      %dma_start3A_306 = tpu.memref_slice %arg3[%dma_start3A_304, %dma_start3A_305] : memref<1000000x32xf32, #tpu.memory_space<hbm>> -> memref<1000000x32xf32, #tpu.memory_space<hbm>>
      tpu.enqueue_indirect_dma source(%dma_start3A_306 : memref<1000000x32xf32, #tpu.memory_space<hbm>>) target(%dma_start3A_300 : memref<56x32xf32, #tpu.memory_space<vmem>>) offsets(%dma_start3A_303 : memref<56xi32, #tpu.memory_space<vmem>>) semaphore(%arg11 : memref<!tpu.dma_semaphore, #tpu.memory_space<semaphore_mem>>)
      %dma_start3A_307 = arith.constant 1 : i32
      %dma_start3A_308 = arith.constant 1 : i32
      %dma_start3A_309 = arith.constant 0 : i32
      %dma_start3A_310 = arith.constant 0 : i32
      %dma_start3A_311 = tpu.memref_slice %arg7[%dma_start3A_308, %dma_start3A_309, %dma_start3A_310] : memref<8x56x32xf32, #tpu.memory_space<vmem>> -> memref<1x56x32xf32, #tpu.memory_space<vmem>>
      %dma_start3A_312 = tpu.memref_squeeze %dma_start3A_311 : memref<1x56x32xf32, #tpu.memory_space<vmem>> -> memref<56x32xf32, #tpu.memory_space<vmem>>
      %dma_start3A_313 = arith.constant 0 : i32
      %dma_start3A_314 = tpu.memref_slice %arg5[%dma_start3A_307, %dma_start3A_313] : memref<8x56xi32, #tpu.memory_space<vmem>> -> memref<1x56xi32, #tpu.memory_space<vmem>>
      %dma_start3A_315 = tpu.memref_squeeze %dma_start3A_314 : memref<1x56xi32, #tpu.memory_space<vmem>> -> memref<56xi32, #tpu.memory_space<vmem>>
      %dma_start3A_316 = arith.constant 0 : i32
      %dma_start3A_317 = arith.constant 0 : i32
      %dma_start3A_318 = tpu.memref_slice %arg3[%dma_start3A_316, %dma_start3A_317] : memref<1000000x32xf32, #tpu.memory_space<hbm>> -> memref<1000000x32xf32, #tpu.memory_space<hbm>>
      tpu.enqueue_indirect_dma source(%dma_start3A_318 : memref<1000000x32xf32, #tpu.memory_space<hbm>>) target(%dma_start3A_312 : memref<56x32xf32, #tpu.memory_space<vmem>>) offsets(%dma_start3A_315 : memref<56xi32, #tpu.memory_space<vmem>>) semaphore(%arg11 : memref<!tpu.dma_semaphore, #tpu.memory_space<semaphore_mem>>)
      %dma_start3A_319 = arith.constant 2 : i32
      %dma_start3A_320 = arith.constant 2 : i32
      %dma_start3A_321 = arith.constant 0 : i32
      %dma_start3A_322 = arith.constant 0 : i32
      %dma_start3A_323 = tpu.memref_slice %arg7[%dma_start3A_320, %dma_start3A_321, %dma_start3A_322] : memref<8x56x32xf32, #tpu.memory_space<vmem>> -> memref<1x56x32xf32, #tpu.memory_space<vmem>>
      %dma_start3A_324 = tpu.memref_squeeze %dma_start3A_323 : memref<1x56x32xf32, #tpu.memory_space<vmem>> -> memref<56x32xf32, #tpu.memory_space<vmem>>
      %dma_start3A_325 = arith.constant 0 : i32
      %dma_start3A_326 = tpu.memref_slice %arg5[%dma_start3A_319, %dma_start3A_325] : memref<8x56xi32, #tpu.memory_space<vmem>> -> memref<1x56xi32, #tpu.memory_space<vmem>>
      %dma_start3A_327 = tpu.memref_squeeze %dma_start3A_326 : memref<1x56xi32, #tpu.memory_space<vmem>> -> memref<56xi32, #tpu.memory_space<vmem>>
      %dma_start3A_328 = arith.constant 0 : i32
      %dma_start3A_329 = arith.constant 0 : i32
      %dma_start3A_330 = tpu.memref_slice %arg3[%dma_start3A_328, %dma_start3A_329] : memref<1000000x32xf32, #tpu.memory_space<hbm>> -> memref<1000000x32xf32, #tpu.memory_space<hbm>>
      tpu.enqueue_indirect_dma source(%dma_start3A_330 : memref<1000000x32xf32, #tpu.memory_space<hbm>>) target(%dma_start3A_324 : memref<56x32xf32, #tpu.memory_space<vmem>>) offsets(%dma_start3A_327 : memref<56xi32, #tpu.memory_space<vmem>>) semaphore(%arg11 : memref<!tpu.dma_semaphore, #tpu.memory_space<semaphore_mem>>)
      %dma_start3A_331 = arith.constant 3 : i32
      %dma_start3A_332 = arith.constant 3 : i32
      %dma_start3A_333 = arith.constant 0 : i32
      %dma_start3A_334 = arith.constant 0 : i32
      %dma_start3A_335 = tpu.memref_slice %arg7[%dma_start3A_332, %dma_start3A_333, %dma_start3A_334] : memref<8x56x32xf32, #tpu.memory_space<vmem>> -> memref<1x56x32xf32, #tpu.memory_space<vmem>>
      %dma_start3A_336 = tpu.memref_squeeze %dma_start3A_335 : memref<1x56x32xf32, #tpu.memory_space<vmem>> -> memref<56x32xf32, #tpu.memory_space<vmem>>
      %dma_start3A_337 = arith.constant 0 : i32
      %dma_start3A_338 = tpu.memref_slice %arg5[%dma_start3A_331, %dma_start3A_337] : memref<8x56xi32, #tpu.memory_space<vmem>> -> memref<1x56xi32, #tpu.memory_space<vmem>>
      %dma_start3A_339 = tpu.memref_squeeze %dma_start3A_338 : memref<1x56xi32, #tpu.memory_space<vmem>> -> memref<56xi32, #tpu.memory_space<vmem>>
      %dma_start3A_340 = arith.constant 0 : i32
      %dma_start3A_341 = arith.constant 0 : i32
      %dma_start3A_342 = tpu.memref_slice %arg3[%dma_start3A_340, %dma_start3A_341] : memref<1000000x32xf32, #tpu.memory_space<hbm>> -> memref<1000000x32xf32, #tpu.memory_space<hbm>>
      tpu.enqueue_indirect_dma source(%dma_start3A_342 : memref<1000000x32xf32, #tpu.memory_space<hbm>>) target(%dma_start3A_336 : memref<56x32xf32, #tpu.memory_space<vmem>>) offsets(%dma_start3A_339 : memref<56xi32, #tpu.memory_space<vmem>>) semaphore(%arg11 : memref<!tpu.dma_semaphore, #tpu.memory_space<semaphore_mem>>)
      %dma_start3A_343 = arith.constant 4 : i32
      %dma_start3A_344 = arith.constant 4 : i32
      %dma_start3A_345 = arith.constant 0 : i32
      %dma_start3A_346 = arith.constant 0 : i32
      %dma_start3A_347 = tpu.memref_slice %arg7[%dma_start3A_344, %dma_start3A_345, %dma_start3A_346] : memref<8x56x32xf32, #tpu.memory_space<vmem>> -> memref<1x56x32xf32, #tpu.memory_space<vmem>>
      %dma_start3A_348 = tpu.memref_squeeze %dma_start3A_347 : memref<1x56x32xf32, #tpu.memory_space<vmem>> -> memref<56x32xf32, #tpu.memory_space<vmem>>
      %dma_start3A_349 = arith.constant 0 : i32
      %dma_start3A_350 = tpu.memref_slice %arg5[%dma_start3A_343, %dma_start3A_349] : memref<8x56xi32, #tpu.memory_space<vmem>> -> memref<1x56xi32, #tpu.memory_space<vmem>>
      %dma_start3A_351 = tpu.memref_squeeze %dma_start3A_350 : memref<1x56xi32, #tpu.memory_space<vmem>> -> memref<56xi32, #tpu.memory_space<vmem>>
      %dma_start3A_352 = arith.constant 0 : i32
      %dma_start3A_353 = arith.constant 0 : i32
      %dma_start3A_354 = tpu.memref_slice %arg3[%dma_start3A_352, %dma_start3A_353] : memref<1000000x32xf32, #tpu.memory_space<hbm>> -> memref<1000000x32xf32, #tpu.memory_space<hbm>>
      tpu.enqueue_indirect_dma source(%dma_start3A_354 : memref<1000000x32xf32, #tpu.memory_space<hbm>>) target(%dma_start3A_348 : memref<56x32xf32, #tpu.memory_space<vmem>>) offsets(%dma_start3A_351 : memref<56xi32, #tpu.memory_space<vmem>>) semaphore(%arg11 : memref<!tpu.dma_semaphore, #tpu.memory_space<semaphore_mem>>)
      %dma_start3A_355 = arith.constant 5 : i32
      %dma_start3A_356 = arith.constant 5 : i32
      %dma_start3A_357 = arith.constant 0 : i32
      %dma_start3A_358 = arith.constant 0 : i32
      %dma_start3A_359 = tpu.memref_slice %arg7[%dma_start3A_356, %dma_start3A_357, %dma_start3A_358] : memref<8x56x32xf32, #tpu.memory_space<vmem>> -> memref<1x56x32xf32, #tpu.memory_space<vmem>>
      %dma_start3A_360 = tpu.memref_squeeze %dma_start3A_359 : memref<1x56x32xf32, #tpu.memory_space<vmem>> -> memref<56x32xf32, #tpu.memory_space<vmem>>
      %dma_start3A_361 = arith.constant 0 : i32
      %dma_start3A_362 = tpu.memref_slice %arg5[%dma_start3A_355, %dma_start3A_361] : memref<8x56xi32, #tpu.memory_space<vmem>> -> memref<1x56xi32, #tpu.memory_space<vmem>>
      %dma_start3A_363 = tpu.memref_squeeze %dma_start3A_362 : memref<1x56xi32, #tpu.memory_space<vmem>> -> memref<56xi32, #tpu.memory_space<vmem>>
      %dma_start3A_364 = arith.constant 0 : i32
      %dma_start3A_365 = arith.constant 0 : i32
      %dma_start3A_366 = tpu.memref_slice %arg3[%dma_start3A_364, %dma_start3A_365] : memref<1000000x32xf32, #tpu.memory_space<hbm>> -> memref<1000000x32xf32, #tpu.memory_space<hbm>>
      tpu.enqueue_indirect_dma source(%dma_start3A_366 : memref<1000000x32xf32, #tpu.memory_space<hbm>>) target(%dma_start3A_360 : memref<56x32xf32, #tpu.memory_space<vmem>>) offsets(%dma_start3A_363 : memref<56xi32, #tpu.memory_space<vmem>>) semaphore(%arg11 : memref<!tpu.dma_semaphore, #tpu.memory_space<semaphore_mem>>)
      %dma_start3A_367 = arith.constant 6 : i32
      %dma_start3A_368 = arith.constant 6 : i32
      %dma_start3A_369 = arith.constant 0 : i32
      %dma_start3A_370 = arith.constant 0 : i32
      %dma_start3A_371 = tpu.memref_slice %arg7[%dma_start3A_368, %dma_start3A_369, %dma_start3A_370] : memref<8x56x32xf32, #tpu.memory_space<vmem>> -> memref<1x56x32xf32, #tpu.memory_space<vmem>>
      %dma_start3A_372 = tpu.memref_squeeze %dma_start3A_371 : memref<1x56x32xf32, #tpu.memory_space<vmem>> -> memref<56x32xf32, #tpu.memory_space<vmem>>
      %dma_start3A_373 = arith.constant 0 : i32
      %dma_start3A_374 = tpu.memref_slice %arg5[%dma_start3A_367, %dma_start3A_373] : memref<8x56xi32, #tpu.memory_space<vmem>> -> memref<1x56xi32, #tpu.memory_space<vmem>>
      %dma_start3A_375 = tpu.memref_squeeze %dma_start3A_374 : memref<1x56xi32, #tpu.memory_space<vmem>> -> memref<56xi32, #tpu.memory_space<vmem>>
      %dma_start3A_376 = arith.constant 0 : i32
      %dma_start3A_377 = arith.constant 0 : i32
      %dma_start3A_378 = tpu.memref_slice %arg3[%dma_start3A_376, %dma_start3A_377] : memref<1000000x32xf32, #tpu.memory_space<hbm>> -> memref<1000000x32xf32, #tpu.memory_space<hbm>>
      tpu.enqueue_indirect_dma source(%dma_start3A_378 : memref<1000000x32xf32, #tpu.memory_space<hbm>>) target(%dma_start3A_372 : memref<56x32xf32, #tpu.memory_space<vmem>>) offsets(%dma_start3A_375 : memref<56xi32, #tpu.memory_space<vmem>>) semaphore(%arg11 : memref<!tpu.dma_semaphore, #tpu.memory_space<semaphore_mem>>)
      %dma_start3A_379 = arith.constant 7 : i32
      %dma_start3A_380 = arith.constant 7 : i32
      %dma_start3A_381 = arith.constant 0 : i32
      %dma_start3A_382 = arith.constant 0 : i32
      %dma_start3A_383 = tpu.memref_slice %arg7[%dma_start3A_380, %dma_start3A_381, %dma_start3A_382] : memref<8x56x32xf32, #tpu.memory_space<vmem>> -> memref<1x56x32xf32, #tpu.memory_space<vmem>>
      %dma_start3A_384 = tpu.memref_squeeze %dma_start3A_383 : memref<1x56x32xf32, #tpu.memory_space<vmem>> -> memref<56x32xf32, #tpu.memory_space<vmem>>
      %dma_start3A_385 = arith.constant 0 : i32
      %dma_start3A_386 = tpu.memref_slice %arg5[%dma_start3A_379, %dma_start3A_385] : memref<8x56xi32, #tpu.memory_space<vmem>> -> memref<1x56xi32, #tpu.memory_space<vmem>>
      %dma_start3A_387 = tpu.memref_squeeze %dma_start3A_386 : memref<1x56xi32, #tpu.memory_space<vmem>> -> memref<56xi32, #tpu.memory_space<vmem>>
      %dma_start3A_388 = arith.constant 0 : i32
      %dma_start3A_389 = arith.constant 0 : i32
      %dma_start3A_390 = tpu.memref_slice %arg3[%dma_start3A_388, %dma_start3A_389] : memref<1000000x32xf32, #tpu.memory_space<hbm>> -> memref<1000000x32xf32, #tpu.memory_space<hbm>>
      tpu.enqueue_indirect_dma source(%dma_start3A_390 : memref<1000000x32xf32, #tpu.memory_space<hbm>>) target(%dma_start3A_384 : memref<56x32xf32, #tpu.memory_space<vmem>>) offsets(%dma_start3A_387 : memref<56xi32, #tpu.memory_space<vmem>>) semaphore(%arg11 : memref<!tpu.dma_semaphore, #tpu.memory_space<semaphore_mem>>)
      %dma_wait3A_391 = arith.constant 0 : i32
      %dma_wait3A_392 = arith.constant 0 : i32
      %dma_wait3A_393 = arith.constant 0 : i32
      %dma_wait3A_394 = tpu.memref_slice %arg4[%dma_wait3A_391, %dma_wait3A_392, %dma_wait3A_393] : memref<16384x56x128xf32, #tpu.memory_space<hbm>> -> memref<8x56x32xf32, #tpu.memory_space<hbm>>
      %dma_wait3A_395 = arith.constant 0 : i32
      %dma_wait3A_396 = arith.constant 0 : i32
      %dma_wait3A_397 = arith.constant 0 : i32
      %dma_wait3A_398 = tpu.memref_slice %arg4[%dma_wait3A_395, %dma_wait3A_396, %dma_wait3A_397] : memref<16384x56x128xf32, #tpu.memory_space<hbm>> -> memref<8x56x32xf32, #tpu.memory_space<hbm>>
      tpu.wait_dma2 semaphore(%arg12 : memref<!tpu.dma_semaphore, #tpu.memory_space<semaphore_mem>>) src(%dma_wait3A_398 : memref<8x56x32xf32, #tpu.memory_space<hbm>>) dst(%arg8 : memref<8x56x32xf32, #tpu.memory_space<vmem>>)
      %sub3A = arith.constant 1 : i32
      %sub3A_399 = arith.subi %add3A_280, %sub3A : i32
      %mul3A_400 = arith.constant 8 : i32
      %mul3A_401 = arith.muli %sub3A_399, %mul3A_400 : i32
      %add3A_402 = arith.addi %mul3A_2, %mul3A_401 : i32
      %dma_start3A_403 = arith.constant 0 : i32
      %dma_start3A_404 = arith.constant 0 : i32
      %dma_start3A_405 = tpu.memref_slice %arg4[%add3A_402, %dma_start3A_403, %dma_start3A_404] : memref<16384x56x128xf32, #tpu.memory_space<hbm>> -> memref<8x56x32xf32, #tpu.memory_space<hbm>>
      %dma_start3A_406 = arith.constant 0 : i32
      %dma_start3A_407 = arith.constant 0 : i32
      %dma_start3A_408 = tpu.memref_slice %arg4[%add3A_402, %dma_start3A_406, %dma_start3A_407] : memref<16384x56x128xf32, #tpu.memory_space<hbm>> -> memref<8x56x32xf32, #tpu.memory_space<hbm>>
      tpu.enqueue_dma source(%arg8 : memref<8x56x32xf32, #tpu.memory_space<vmem>>) target(%dma_start3A_408 : memref<8x56x32xf32, #tpu.memory_space<hbm>>) target_semaphore(%arg14 : memref<!tpu.dma_semaphore, #tpu.memory_space<semaphore_mem>>)
      %add3A_409 = arith.constant 1 : i32
      %add3A_410 = arith.addi %add3A_280, %add3A_409 : i32
      %lt3A = arith.constant 64 : i32
      %lt3A_411 = arith.cmpi slt, %add3A_410, %lt3A : i32
      %convert_element_type3A = arith.extui %lt3A_411 : i1 to i32
      %cond3A = arith.constant 0 : i32
      %cond3A_412 = arith.cmpi ne, %convert_element_type3A, %cond3A : i32
      scf.if %cond3A_412 {
        %add3A_553 = arith.constant 1 : i32
        %add3A_554 = arith.addi %add3A_280, %add3A_553 : i32
        %mul3A_555 = arith.constant 8 : i32
        %mul3A_556 = arith.muli %add3A_554, %mul3A_555 : i32
        %add3A_557 = arith.addi %mul3A_2, %mul3A_556 : i32
        %dma_start3A_558 = arith.constant 0 : i32
        %dma_start3A_559 = tpu.memref_slice %arg2[%add3A_557, %dma_start3A_558] : memref<16384x128xi32, #tpu.memory_space<hbm>> -> memref<8x56xi32, #tpu.memory_space<hbm>>
        %dma_start3A_560 = arith.constant 0 : i32
        %dma_start3A_561 = tpu.memref_slice %arg2[%add3A_557, %dma_start3A_560] : memref<16384x128xi32, #tpu.memory_space<hbm>> -> memref<8x56xi32, #tpu.memory_space<hbm>>
        tpu.enqueue_dma source(%dma_start3A_561 : memref<8x56xi32, #tpu.memory_space<hbm>>) target(%arg6 : memref<8x56xi32, #tpu.memory_space<vmem>>) target_semaphore(%arg10 : memref<!tpu.dma_semaphore, #tpu.memory_space<semaphore_mem>>)
      } else {
      }
      %mul3A_413 = arith.constant 2 : i32
      %mul3A_414 = arith.muli %mul3A_413, %scan3A_276 : i32
      %add3A_415 = arith.constant 1 : i32
      %add3A_416 = arith.addi %mul3A_414, %add3A_415 : i32
      %dma_wait3A_417 = arith.constant 0 : i32
      %dma_wait3A_418 = arith.constant 0 : i32
      %dma_wait3A_419 = tpu.memref_slice %arg2[%dma_wait3A_417, %dma_wait3A_418] : memref<16384x128xi32, #tpu.memory_space<hbm>> -> memref<8x56xi32, #tpu.memory_space<hbm>>
      %dma_wait3A_420 = arith.constant 0 : i32
      %dma_wait3A_421 = arith.constant 0 : i32
      %dma_wait3A_422 = tpu.memref_slice %arg2[%dma_wait3A_420, %dma_wait3A_421] : memref<16384x128xi32, #tpu.memory_space<hbm>> -> memref<8x56xi32, #tpu.memory_space<hbm>>
      tpu.wait_dma2 semaphore(%arg10 : memref<!tpu.dma_semaphore, #tpu.memory_space<semaphore_mem>>) src(%dma_wait3A_422 : memref<8x56xi32, #tpu.memory_space<hbm>>) dst(%arg6 : memref<8x56xi32, #tpu.memory_space<vmem>>)
      %dma_wait3A_423 = arith.constant 0 : i32
      %dma_wait3A_424 = arith.constant 0 : i32
      %dma_wait3A_425 = arith.constant 0 : i32
      %dma_wait3A_426 = tpu.memref_slice %arg4[%dma_wait3A_423, %dma_wait3A_424, %dma_wait3A_425] : memref<16384x56x128xf32, #tpu.memory_space<hbm>> -> memref<8x56x32xf32, #tpu.memory_space<hbm>>
      %dma_wait3A_427 = arith.constant 0 : i32
      %dma_wait3A_428 = arith.constant 0 : i32
      %dma_wait3A_429 = arith.constant 0 : i32
      %dma_wait3A_430 = tpu.memref_slice %arg4[%dma_wait3A_427, %dma_wait3A_428, %dma_wait3A_429] : memref<16384x56x128xf32, #tpu.memory_space<hbm>> -> memref<8x56x32xf32, #tpu.memory_space<hbm>>
      tpu.wait_dma2 semaphore(%arg14 : memref<!tpu.dma_semaphore, #tpu.memory_space<semaphore_mem>>) src(%arg8 : memref<8x56x32xf32, #tpu.memory_space<vmem>>) dst(%dma_wait3A_430 : memref<8x56x32xf32, #tpu.memory_space<hbm>>)
      %dma_start3A_431 = arith.constant 0 : i32
      %dma_start3A_432 = arith.constant 0 : i32
      %dma_start3A_433 = arith.constant 0 : i32
      %dma_start3A_434 = arith.constant 0 : i32
      %dma_start3A_435 = tpu.memref_slice %arg8[%dma_start3A_432, %dma_start3A_433, %dma_start3A_434] : memref<8x56x32xf32, #tpu.memory_space<vmem>> -> memref<1x56x32xf32, #tpu.memory_space<vmem>>
      %dma_start3A_436 = tpu.memref_squeeze %dma_start3A_435 : memref<1x56x32xf32, #tpu.memory_space<vmem>> -> memref<56x32xf32, #tpu.memory_space<vmem>>
      %dma_start3A_437 = arith.constant 0 : i32
      %dma_start3A_438 = tpu.memref_slice %arg6[%dma_start3A_431, %dma_start3A_437] : memref<8x56xi32, #tpu.memory_space<vmem>> -> memref<1x56xi32, #tpu.memory_space<vmem>>
      %dma_start3A_439 = tpu.memref_squeeze %dma_start3A_438 : memref<1x56xi32, #tpu.memory_space<vmem>> -> memref<56xi32, #tpu.memory_space<vmem>>
      %dma_start3A_440 = arith.constant 0 : i32
      %dma_start3A_441 = arith.constant 0 : i32
      %dma_start3A_442 = tpu.memref_slice %arg3[%dma_start3A_440, %dma_start3A_441] : memref<1000000x32xf32, #tpu.memory_space<hbm>> -> memref<1000000x32xf32, #tpu.memory_space<hbm>>
      tpu.enqueue_indirect_dma source(%dma_start3A_442 : memref<1000000x32xf32, #tpu.memory_space<hbm>>) target(%dma_start3A_436 : memref<56x32xf32, #tpu.memory_space<vmem>>) offsets(%dma_start3A_439 : memref<56xi32, #tpu.memory_space<vmem>>) semaphore(%arg12 : memref<!tpu.dma_semaphore, #tpu.memory_space<semaphore_mem>>)
      %dma_start3A_443 = arith.constant 1 : i32
      %dma_start3A_444 = arith.constant 1 : i32
      %dma_start3A_445 = arith.constant 0 : i32
      %dma_start3A_446 = arith.constant 0 : i32
      %dma_start3A_447 = tpu.memref_slice %arg8[%dma_start3A_444, %dma_start3A_445, %dma_start3A_446] : memref<8x56x32xf32, #tpu.memory_space<vmem>> -> memref<1x56x32xf32, #tpu.memory_space<vmem>>
      %dma_start3A_448 = tpu.memref_squeeze %dma_start3A_447 : memref<1x56x32xf32, #tpu.memory_space<vmem>> -> memref<56x32xf32, #tpu.memory_space<vmem>>
      %dma_start3A_449 = arith.constant 0 : i32
      %dma_start3A_450 = tpu.memref_slice %arg6[%dma_start3A_443, %dma_start3A_449] : memref<8x56xi32, #tpu.memory_space<vmem>> -> memref<1x56xi32, #tpu.memory_space<vmem>>
      %dma_start3A_451 = tpu.memref_squeeze %dma_start3A_450 : memref<1x56xi32, #tpu.memory_space<vmem>> -> memref<56xi32, #tpu.memory_space<vmem>>
      %dma_start3A_452 = arith.constant 0 : i32
      %dma_start3A_453 = arith.constant 0 : i32
      %dma_start3A_454 = tpu.memref_slice %arg3[%dma_start3A_452, %dma_start3A_453] : memref<1000000x32xf32, #tpu.memory_space<hbm>> -> memref<1000000x32xf32, #tpu.memory_space<hbm>>
      tpu.enqueue_indirect_dma source(%dma_start3A_454 : memref<1000000x32xf32, #tpu.memory_space<hbm>>) target(%dma_start3A_448 : memref<56x32xf32, #tpu.memory_space<vmem>>) offsets(%dma_start3A_451 : memref<56xi32, #tpu.memory_space<vmem>>) semaphore(%arg12 : memref<!tpu.dma_semaphore, #tpu.memory_space<semaphore_mem>>)
      %dma_start3A_455 = arith.constant 2 : i32
      %dma_start3A_456 = arith.constant 2 : i32
      %dma_start3A_457 = arith.constant 0 : i32
      %dma_start3A_458 = arith.constant 0 : i32
      %dma_start3A_459 = tpu.memref_slice %arg8[%dma_start3A_456, %dma_start3A_457, %dma_start3A_458] : memref<8x56x32xf32, #tpu.memory_space<vmem>> -> memref<1x56x32xf32, #tpu.memory_space<vmem>>
      %dma_start3A_460 = tpu.memref_squeeze %dma_start3A_459 : memref<1x56x32xf32, #tpu.memory_space<vmem>> -> memref<56x32xf32, #tpu.memory_space<vmem>>
      %dma_start3A_461 = arith.constant 0 : i32
      %dma_start3A_462 = tpu.memref_slice %arg6[%dma_start3A_455, %dma_start3A_461] : memref<8x56xi32, #tpu.memory_space<vmem>> -> memref<1x56xi32, #tpu.memory_space<vmem>>
      %dma_start3A_463 = tpu.memref_squeeze %dma_start3A_462 : memref<1x56xi32, #tpu.memory_space<vmem>> -> memref<56xi32, #tpu.memory_space<vmem>>
      %dma_start3A_464 = arith.constant 0 : i32
      %dma_start3A_465 = arith.constant 0 : i32
      %dma_start3A_466 = tpu.memref_slice %arg3[%dma_start3A_464, %dma_start3A_465] : memref<1000000x32xf32, #tpu.memory_space<hbm>> -> memref<1000000x32xf32, #tpu.memory_space<hbm>>
      tpu.enqueue_indirect_dma source(%dma_start3A_466 : memref<1000000x32xf32, #tpu.memory_space<hbm>>) target(%dma_start3A_460 : memref<56x32xf32, #tpu.memory_space<vmem>>) offsets(%dma_start3A_463 : memref<56xi32, #tpu.memory_space<vmem>>) semaphore(%arg12 : memref<!tpu.dma_semaphore, #tpu.memory_space<semaphore_mem>>)
      %dma_start3A_467 = arith.constant 3 : i32
      %dma_start3A_468 = arith.constant 3 : i32
      %dma_start3A_469 = arith.constant 0 : i32
      %dma_start3A_470 = arith.constant 0 : i32
      %dma_start3A_471 = tpu.memref_slice %arg8[%dma_start3A_468, %dma_start3A_469, %dma_start3A_470] : memref<8x56x32xf32, #tpu.memory_space<vmem>> -> memref<1x56x32xf32, #tpu.memory_space<vmem>>
      %dma_start3A_472 = tpu.memref_squeeze %dma_start3A_471 : memref<1x56x32xf32, #tpu.memory_space<vmem>> -> memref<56x32xf32, #tpu.memory_space<vmem>>
      %dma_start3A_473 = arith.constant 0 : i32
      %dma_start3A_474 = tpu.memref_slice %arg6[%dma_start3A_467, %dma_start3A_473] : memref<8x56xi32, #tpu.memory_space<vmem>> -> memref<1x56xi32, #tpu.memory_space<vmem>>
      %dma_start3A_475 = tpu.memref_squeeze %dma_start3A_474 : memref<1x56xi32, #tpu.memory_space<vmem>> -> memref<56xi32, #tpu.memory_space<vmem>>
      %dma_start3A_476 = arith.constant 0 : i32
      %dma_start3A_477 = arith.constant 0 : i32
      %dma_start3A_478 = tpu.memref_slice %arg3[%dma_start3A_476, %dma_start3A_477] : memref<1000000x32xf32, #tpu.memory_space<hbm>> -> memref<1000000x32xf32, #tpu.memory_space<hbm>>
      tpu.enqueue_indirect_dma source(%dma_start3A_478 : memref<1000000x32xf32, #tpu.memory_space<hbm>>) target(%dma_start3A_472 : memref<56x32xf32, #tpu.memory_space<vmem>>) offsets(%dma_start3A_475 : memref<56xi32, #tpu.memory_space<vmem>>) semaphore(%arg12 : memref<!tpu.dma_semaphore, #tpu.memory_space<semaphore_mem>>)
      %dma_start3A_479 = arith.constant 4 : i32
      %dma_start3A_480 = arith.constant 4 : i32
      %dma_start3A_481 = arith.constant 0 : i32
      %dma_start3A_482 = arith.constant 0 : i32
      %dma_start3A_483 = tpu.memref_slice %arg8[%dma_start3A_480, %dma_start3A_481, %dma_start3A_482] : memref<8x56x32xf32, #tpu.memory_space<vmem>> -> memref<1x56x32xf32, #tpu.memory_space<vmem>>
      %dma_start3A_484 = tpu.memref_squeeze %dma_start3A_483 : memref<1x56x32xf32, #tpu.memory_space<vmem>> -> memref<56x32xf32, #tpu.memory_space<vmem>>
      %dma_start3A_485 = arith.constant 0 : i32
      %dma_start3A_486 = tpu.memref_slice %arg6[%dma_start3A_479, %dma_start3A_485] : memref<8x56xi32, #tpu.memory_space<vmem>> -> memref<1x56xi32, #tpu.memory_space<vmem>>
      %dma_start3A_487 = tpu.memref_squeeze %dma_start3A_486 : memref<1x56xi32, #tpu.memory_space<vmem>> -> memref<56xi32, #tpu.memory_space<vmem>>
      %dma_start3A_488 = arith.constant 0 : i32
      %dma_start3A_489 = arith.constant 0 : i32
      %dma_start3A_490 = tpu.memref_slice %arg3[%dma_start3A_488, %dma_start3A_489] : memref<1000000x32xf32, #tpu.memory_space<hbm>> -> memref<1000000x32xf32, #tpu.memory_space<hbm>>
      tpu.enqueue_indirect_dma source(%dma_start3A_490 : memref<1000000x32xf32, #tpu.memory_space<hbm>>) target(%dma_start3A_484 : memref<56x32xf32, #tpu.memory_space<vmem>>) offsets(%dma_start3A_487 : memref<56xi32, #tpu.memory_space<vmem>>) semaphore(%arg12 : memref<!tpu.dma_semaphore, #tpu.memory_space<semaphore_mem>>)
      %dma_start3A_491 = arith.constant 5 : i32
      %dma_start3A_492 = arith.constant 5 : i32
      %dma_start3A_493 = arith.constant 0 : i32
      %dma_start3A_494 = arith.constant 0 : i32
      %dma_start3A_495 = tpu.memref_slice %arg8[%dma_start3A_492, %dma_start3A_493, %dma_start3A_494] : memref<8x56x32xf32, #tpu.memory_space<vmem>> -> memref<1x56x32xf32, #tpu.memory_space<vmem>>
      %dma_start3A_496 = tpu.memref_squeeze %dma_start3A_495 : memref<1x56x32xf32, #tpu.memory_space<vmem>> -> memref<56x32xf32, #tpu.memory_space<vmem>>
      %dma_start3A_497 = arith.constant 0 : i32
      %dma_start3A_498 = tpu.memref_slice %arg6[%dma_start3A_491, %dma_start3A_497] : memref<8x56xi32, #tpu.memory_space<vmem>> -> memref<1x56xi32, #tpu.memory_space<vmem>>
      %dma_start3A_499 = tpu.memref_squeeze %dma_start3A_498 : memref<1x56xi32, #tpu.memory_space<vmem>> -> memref<56xi32, #tpu.memory_space<vmem>>
      %dma_start3A_500 = arith.constant 0 : i32
      %dma_start3A_501 = arith.constant 0 : i32
      %dma_start3A_502 = tpu.memref_slice %arg3[%dma_start3A_500, %dma_start3A_501] : memref<1000000x32xf32, #tpu.memory_space<hbm>> -> memref<1000000x32xf32, #tpu.memory_space<hbm>>
      tpu.enqueue_indirect_dma source(%dma_start3A_502 : memref<1000000x32xf32, #tpu.memory_space<hbm>>) target(%dma_start3A_496 : memref<56x32xf32, #tpu.memory_space<vmem>>) offsets(%dma_start3A_499 : memref<56xi32, #tpu.memory_space<vmem>>) semaphore(%arg12 : memref<!tpu.dma_semaphore, #tpu.memory_space<semaphore_mem>>)
      %dma_start3A_503 = arith.constant 6 : i32
      %dma_start3A_504 = arith.constant 6 : i32
      %dma_start3A_505 = arith.constant 0 : i32
      %dma_start3A_506 = arith.constant 0 : i32
      %dma_start3A_507 = tpu.memref_slice %arg8[%dma_start3A_504, %dma_start3A_505, %dma_start3A_506] : memref<8x56x32xf32, #tpu.memory_space<vmem>> -> memref<1x56x32xf32, #tpu.memory_space<vmem>>
      %dma_start3A_508 = tpu.memref_squeeze %dma_start3A_507 : memref<1x56x32xf32, #tpu.memory_space<vmem>> -> memref<56x32xf32, #tpu.memory_space<vmem>>
      %dma_start3A_509 = arith.constant 0 : i32
      %dma_start3A_510 = tpu.memref_slice %arg6[%dma_start3A_503, %dma_start3A_509] : memref<8x56xi32, #tpu.memory_space<vmem>> -> memref<1x56xi32, #tpu.memory_space<vmem>>
      %dma_start3A_511 = tpu.memref_squeeze %dma_start3A_510 : memref<1x56xi32, #tpu.memory_space<vmem>> -> memref<56xi32, #tpu.memory_space<vmem>>
      %dma_start3A_512 = arith.constant 0 : i32
      %dma_start3A_513 = arith.constant 0 : i32
      %dma_start3A_514 = tpu.memref_slice %arg3[%dma_start3A_512, %dma_start3A_513] : memref<1000000x32xf32, #tpu.memory_space<hbm>> -> memref<1000000x32xf32, #tpu.memory_space<hbm>>
      tpu.enqueue_indirect_dma source(%dma_start3A_514 : memref<1000000x32xf32, #tpu.memory_space<hbm>>) target(%dma_start3A_508 : memref<56x32xf32, #tpu.memory_space<vmem>>) offsets(%dma_start3A_511 : memref<56xi32, #tpu.memory_space<vmem>>) semaphore(%arg12 : memref<!tpu.dma_semaphore, #tpu.memory_space<semaphore_mem>>)
      %dma_start3A_515 = arith.constant 7 : i32
      %dma_start3A_516 = arith.constant 7 : i32
      %dma_start3A_517 = arith.constant 0 : i32
      %dma_start3A_518 = arith.constant 0 : i32
      %dma_start3A_519 = tpu.memref_slice %arg8[%dma_start3A_516, %dma_start3A_517, %dma_start3A_518] : memref<8x56x32xf32, #tpu.memory_space<vmem>> -> memref<1x56x32xf32, #tpu.memory_space<vmem>>
      %dma_start3A_520 = tpu.memref_squeeze %dma_start3A_519 : memref<1x56x32xf32, #tpu.memory_space<vmem>> -> memref<56x32xf32, #tpu.memory_space<vmem>>
      %dma_start3A_521 = arith.constant 0 : i32
      %dma_start3A_522 = tpu.memref_slice %arg6[%dma_start3A_515, %dma_start3A_521] : memref<8x56xi32, #tpu.memory_space<vmem>> -> memref<1x56xi32, #tpu.memory_space<vmem>>
      %dma_start3A_523 = tpu.memref_squeeze %dma_start3A_522 : memref<1x56xi32, #tpu.memory_space<vmem>> -> memref<56xi32, #tpu.memory_space<vmem>>
      %dma_start3A_524 = arith.constant 0 : i32
      %dma_start3A_525 = arith.constant 0 : i32
      %dma_start3A_526 = tpu.memref_slice %arg3[%dma_start3A_524, %dma_start3A_525] : memref<1000000x32xf32, #tpu.memory_space<hbm>> -> memref<1000000x32xf32, #tpu.memory_space<hbm>>
      tpu.enqueue_indirect_dma source(%dma_start3A_526 : memref<1000000x32xf32, #tpu.memory_space<hbm>>) target(%dma_start3A_520 : memref<56x32xf32, #tpu.memory_space<vmem>>) offsets(%dma_start3A_523 : memref<56xi32, #tpu.memory_space<vmem>>) semaphore(%arg12 : memref<!tpu.dma_semaphore, #tpu.memory_space<semaphore_mem>>)
      %dma_wait3A_527 = arith.constant 0 : i32
      %dma_wait3A_528 = arith.constant 0 : i32
      %dma_wait3A_529 = arith.constant 0 : i32
      %dma_wait3A_530 = tpu.memref_slice %arg4[%dma_wait3A_527, %dma_wait3A_528, %dma_wait3A_529] : memref<16384x56x128xf32, #tpu.memory_space<hbm>> -> memref<8x56x32xf32, #tpu.memory_space<hbm>>
      %dma_wait3A_531 = arith.constant 0 : i32
      %dma_wait3A_532 = arith.constant 0 : i32
      %dma_wait3A_533 = arith.constant 0 : i32
      %dma_wait3A_534 = tpu.memref_slice %arg4[%dma_wait3A_531, %dma_wait3A_532, %dma_wait3A_533] : memref<16384x56x128xf32, #tpu.memory_space<hbm>> -> memref<8x56x32xf32, #tpu.memory_space<hbm>>
      tpu.wait_dma2 semaphore(%arg11 : memref<!tpu.dma_semaphore, #tpu.memory_space<semaphore_mem>>) src(%dma_wait3A_534 : memref<8x56x32xf32, #tpu.memory_space<hbm>>) dst(%arg7 : memref<8x56x32xf32, #tpu.memory_space<vmem>>)
      %sub3A_535 = arith.constant 1 : i32
      %sub3A_536 = arith.subi %add3A_416, %sub3A_535 : i32
      %mul3A_537 = arith.constant 8 : i32
      %mul3A_538 = arith.muli %sub3A_536, %mul3A_537 : i32
      %add3A_539 = arith.addi %mul3A_2, %mul3A_538 : i32
      %dma_start3A_540 = arith.constant 0 : i32
      %dma_start3A_541 = arith.constant 0 : i32
      %dma_start3A_542 = tpu.memref_slice %arg4[%add3A_539, %dma_start3A_540, %dma_start3A_541] : memref<16384x56x128xf32, #tpu.memory_space<hbm>> -> memref<8x56x32xf32, #tpu.memory_space<hbm>>
      %dma_start3A_543 = arith.constant 0 : i32
      %dma_start3A_544 = arith.constant 0 : i32
      %dma_start3A_545 = tpu.memref_slice %arg4[%add3A_539, %dma_start3A_543, %dma_start3A_544] : memref<16384x56x128xf32, #tpu.memory_space<hbm>> -> memref<8x56x32xf32, #tpu.memory_space<hbm>>
      tpu.enqueue_dma source(%arg7 : memref<8x56x32xf32, #tpu.memory_space<vmem>>) target(%dma_start3A_545 : memref<8x56x32xf32, #tpu.memory_space<hbm>>) target_semaphore(%arg13 : memref<!tpu.dma_semaphore, #tpu.memory_space<semaphore_mem>>)
      %add3A_546 = arith.constant 1 : i32
      %add3A_547 = arith.addi %add3A_416, %add3A_546 : i32
      %lt3A_548 = arith.constant 64 : i32
      %lt3A_549 = arith.cmpi slt, %add3A_547, %lt3A_548 : i32
      %convert_element_type3A_550 = arith.extui %lt3A_549 : i1 to i32
      %cond3A_551 = arith.constant 0 : i32
      %cond3A_552 = arith.cmpi ne, %convert_element_type3A_550, %cond3A_551 : i32
      scf.if %cond3A_552 {
        %add3A_553 = arith.constant 1 : i32
        %add3A_554 = arith.addi %add3A_416, %add3A_553 : i32
        %mul3A_555 = arith.constant 8 : i32
        %mul3A_556 = arith.muli %add3A_554, %mul3A_555 : i32
        %add3A_557 = arith.addi %mul3A_2, %mul3A_556 : i32
        %dma_start3A_558 = arith.constant 0 : i32
        %dma_start3A_559 = tpu.memref_slice %arg2[%add3A_557, %dma_start3A_558] : memref<16384x128xi32, #tpu.memory_space<hbm>> -> memref<8x56xi32, #tpu.memory_space<hbm>>
        %dma_start3A_560 = arith.constant 0 : i32
        %dma_start3A_561 = tpu.memref_slice %arg2[%add3A_557, %dma_start3A_560] : memref<16384x128xi32, #tpu.memory_space<hbm>> -> memref<8x56xi32, #tpu.memory_space<hbm>>
        tpu.enqueue_dma source(%dma_start3A_561 : memref<8x56xi32, #tpu.memory_space<hbm>>) target(%arg5 : memref<8x56xi32, #tpu.memory_space<vmem>>) target_semaphore(%arg9 : memref<!tpu.dma_semaphore, #tpu.memory_space<semaphore_mem>>)
      } else {
      }
    }
    %scan3A_243 = arith.constant 31 : i32
    %dma_wait3A_244 = arith.constant 0 : i32
    %dma_wait3A_245 = arith.constant 0 : i32
    %dma_wait3A_246 = arith.constant 0 : i32
    %dma_wait3A_247 = tpu.memref_slice %arg4[%dma_wait3A_244, %dma_wait3A_245, %dma_wait3A_246] : memref<16384x56x128xf32, #tpu.memory_space<hbm>> -> memref<8x56x32xf32, #tpu.memory_space<hbm>>
    %dma_wait3A_248 = arith.constant 0 : i32
    %dma_wait3A_249 = arith.constant 0 : i32
    %dma_wait3A_250 = arith.constant 0 : i32
    %dma_wait3A_251 = tpu.memref_slice %arg4[%dma_wait3A_248, %dma_wait3A_249, %dma_wait3A_250] : memref<16384x56x128xf32, #tpu.memory_space<hbm>> -> memref<8x56x32xf32, #tpu.memory_space<hbm>>
    tpu.wait_dma2 semaphore(%arg12 : memref<!tpu.dma_semaphore, #tpu.memory_space<semaphore_mem>>) src(%dma_wait3A_251 : memref<8x56x32xf32, #tpu.memory_space<hbm>>) dst(%arg8 : memref<8x56x32xf32, #tpu.memory_space<vmem>>)
    %add3A_252 = arith.constant 504 : i32
    %add3A_253 = arith.addi %mul3A_2, %add3A_252 : i32
    %dma_start3A_254 = arith.constant 0 : i32
    %dma_start3A_255 = arith.constant 0 : i32
    %dma_start3A_256 = tpu.memref_slice %arg4[%add3A_253, %dma_start3A_254, %dma_start3A_255] : memref<16384x56x128xf32, #tpu.memory_space<hbm>> -> memref<8x56x32xf32, #tpu.memory_space<hbm>>
    %dma_start3A_257 = arith.constant 0 : i32
    %dma_start3A_258 = arith.constant 0 : i32
    %dma_start3A_259 = tpu.memref_slice %arg4[%add3A_253, %dma_start3A_257, %dma_start3A_258] : memref<16384x56x128xf32, #tpu.memory_space<hbm>> -> memref<8x56x32xf32, #tpu.memory_space<hbm>>
    tpu.enqueue_dma source(%arg8 : memref<8x56x32xf32, #tpu.memory_space<vmem>>) target(%dma_start3A_259 : memref<8x56x32xf32, #tpu.memory_space<hbm>>) target_semaphore(%arg14 : memref<!tpu.dma_semaphore, #tpu.memory_space<semaphore_mem>>)
    %dma_wait3A_260 = arith.constant 0 : i32
    %dma_wait3A_261 = arith.constant 0 : i32
    %dma_wait3A_262 = arith.constant 0 : i32
    %dma_wait3A_263 = tpu.memref_slice %arg4[%dma_wait3A_260, %dma_wait3A_261, %dma_wait3A_262] : memref<16384x56x128xf32, #tpu.memory_space<hbm>> -> memref<8x56x32xf32, #tpu.memory_space<hbm>>
    %dma_wait3A_264 = arith.constant 0 : i32
    %dma_wait3A_265 = arith.constant 0 : i32
    %dma_wait3A_266 = arith.constant 0 : i32
    %dma_wait3A_267 = tpu.memref_slice %arg4[%dma_wait3A_264, %dma_wait3A_265, %dma_wait3A_266] : memref<16384x56x128xf32, #tpu.memory_space<hbm>> -> memref<8x56x32xf32, #tpu.memory_space<hbm>>
    tpu.wait_dma2 semaphore(%arg13 : memref<!tpu.dma_semaphore, #tpu.memory_space<semaphore_mem>>) src(%arg7 : memref<8x56x32xf32, #tpu.memory_space<vmem>>) dst(%dma_wait3A_267 : memref<8x56x32xf32, #tpu.memory_space<hbm>>)
    %dma_wait3A_268 = arith.constant 0 : i32
    %dma_wait3A_269 = arith.constant 0 : i32
    %dma_wait3A_270 = arith.constant 0 : i32
    %dma_wait3A_271 = tpu.memref_slice %arg4[%dma_wait3A_268, %dma_wait3A_269, %dma_wait3A_270] : memref<16384x56x128xf32, #tpu.memory_space<hbm>> -> memref<8x56x32xf32, #tpu.memory_space<hbm>>
    %dma_wait3A_272 = arith.constant 0 : i32
    %dma_wait3A_273 = arith.constant 0 : i32
    %dma_wait3A_274 = arith.constant 0 : i32
    %dma_wait3A_275 = tpu.memref_slice %arg4[%dma_wait3A_272, %dma_wait3A_273, %dma_wait3A_274] : memref<16384x56x128xf32, #tpu.memory_space<hbm>> -> memref<8x56x32xf32, #tpu.memory_space<hbm>>
    tpu.wait_dma2 semaphore(%arg14 : memref<!tpu.dma_semaphore, #tpu.memory_space<semaphore_mem>>) src(%arg8 : memref<8x56x32xf32, #tpu.memory_space<vmem>>) dst(%dma_wait3A_275 : memref<8x56x32xf32, #tpu.memory_space<hbm>>)
    return
  }
}

</mosaic_0001>

<sc_bundles>
// kernel: kernel.3.cloned.1.call-start
scs
__scs_entry_jumppad:
0x0: {  	(pc) =	sbr.rel $0x88, $3  }
0x1: {  	(tag) =	ssettag $0x0;
	lr =	simm.s32 $0x1  }
0x2: {  	[smem:$0x3F9F] =	sst lr;
	_ =	strace $0xD0000000  }
0x3: {  	_ = 	snop  }
0x4: {  	_ = 	snop  }
0x5: {  	_ = 	snop  }
0x6: {  	_ = 	snop  }
0x7: {  	_ = 	snop  }
__scs_overlays_trampoline_lowered:
0x8: {  	[smem:$0x3FAE] =	sst s0  }
0x9: {  	[smem:$0x3FAF] =	sst s1  }
0xa: {  	[smem:$0x3FB0] =	sst s2  }
0xb: {  	[smem:$0x3FB1] =	sst s3  }
0xc: {  	[smem:$0x3FB2] =	sst s4  }
0xd: {  	[smem:$0x3FB3] =	sst s5  }
0xe: {  	[smem:$0x3FB4] =	sst s6  }
0xf: {  	[smem:$0x3FB5] =	sst s7  }
0x10: {  	[smem:$0x3FB6] =	sst s8  }
0x11: {  	[smem:$0x3FB7] =	sst s9;
	s0 =	simm.s32 @!p0 $0x0  }
0x12: {  	s1 =	sld [smem:$0x3F9D];
	s0 =	simm.s32 @p0 $0x1  }
0x13: {  	[smem:$0x3FB8] =	sst s0;
	s0 =	simm.s32 @!p1 $0x0  }
0x14: {  	s2 =	sld [smem:$0x3F9C];
	s0 =	simm.s32 @p1 $0x1  }
0x15: {  	[smem:$0x3FB9] =	sst s0;
	s0 =	simm.s32 @!p2 $0x0  }
0x16: {  	s3 =	sld [smem:$0x3FDB];
	s0 =	simm.s32 @p2 $0x1  }
0x17: {  	s4 =	simm.s32 $0x1BF5;
	[smem:$0x3FBB] =	sst s0  }
0x18: {  	s0 =	sld [smem:$0x3F9E];
	_ =	swait.ge [sflag:s4], $0x0  }
0x19: {  	s7 =	sld [smem:$0x3F9F]  }
0x1a: {  	s8 =	sadd.s32 $0xFFFFE003, lr  }
0x1b: {  	s9 =	sadd.s32 $0xFFFFFEF7, lr;
	s5 =	simm.s32 $0xFFFFFFFF;
	p2 =	slt.u32 s8, $0xFFFFF086  }
0x1c: {  	p1 =	slt.u32 s9, $0xF7A;
	s5 =	simm.s32 @!p2 $0x0  }
0x1d: {  	s5 =	simm.s32 @p1 $0x1;
	p0 =	seq.s32 s7, s2  }
0x1e: {  	s7 =	smul.u32 @!p0 $0xF7A, s2;
	p2 =	seq.s32 @!p0 s5, $0x0  }
0x1f: {  	s9 =	smul.u32 $0xF7A, s1;
	s8 =	simm.s32 @!p0 $0x1BF5;
	p2 =	por !p2, p0  }
0x20: {  	[sflag:s8] =	ssyncset.s32 @!p0 $0xFFFFF086;
	s6 =	sadd.s32 @!p0 s3, s7;
	s7 =	simm.s32 @!p0 $0x108  }
0x21: {  	s3 =	sadd.s32 s3, s9;
	s6 =	sadd.s32 @!p0 $0x88, s6;
	s7 =	simm.s32 @p2 $0x1082  }
0x22: {  	[simem:s7], [sflag:s8] =	dma.local @!p0 [hbm:s6], $0xF7A  }
0x23: {  	s9 =	sor.u32 $0xD0000000, s2;
	s6 =	simm.s32 $0x108;
	_ =	swait.ge @!p0 [sflag:s8], $0x0  }
0x24: {  	s3 =	sadd.s32 $0x88, s3;
	s6 =	simm.s32 @!p1 $0x1082;
	[sflag:s4] =	ssyncset.s32 $0xFFFFF086  }
0x25: {  	[simem:s6], [sflag:s4] =	dma.local [hbm:s3], $0xF7A  }
0x26: {  	[smem:$0x3F9F] =	sst s1;
	(tag) =	ssettag s2;
	_ =	strace s9  }
0x27: {  	s1 =	sld [smem:$0x3FAF]  }
0x28: {  	s2 =	sld [smem:$0x3FB0]  }
0x29: {  	s4 =	sld [smem:$0x3FB2]  }
0x2a: {  	p0 =	seq.s32 s5, $0x0;
	s5 =	sld [smem:$0x3FB3]  }
0x2b: {  	s6 =	sld [smem:$0x3FB4]  }
0x2c: {  	s7 =	sld [smem:$0x3FB5]  }
0x2d: {  	s3 =	simm.s32 $0x108;
	s8 =	sld [smem:$0x3FB6]  }
0x2e: {  	s3 =	simm.s32 @!p0 $0x1082;
	s9 =	sld [smem:$0x3FB7]  }
0x2f: {  	lr =	sadd.s32 s0, s3;
	s0 =	sld [smem:$0x3FAE]  }
0x30: {  	s3 =	sld [smem:$0x3FB1]  }
0x31: {  	[smem:$0x3FBA] =	sst s10  }
0x32: {  	s10 =	sld [smem:$0x3FB8];
	_ =	sdelay $0x3  }
0x33: {  	p0 =	seq.s32 s10, $0x1;
	s10 =	sld [smem:$0x3FBA];
	_ =	sdelay $0x3  }
0x34: {  	[smem:$0x3FBA] =	sst s10  }
0x35: {  	s10 =	sld [smem:$0x3FB9];
	_ =	sdelay $0x3  }
0x36: {  	p1 =	seq.s32 s10, $0x1;
	s10 =	sld [smem:$0x3FBA];
	_ =	sdelay $0x3  }
0x37: {  	[smem:$0x3FBA] =	sst s10  }
0x38: {  	s10 =	sld [smem:$0x3FBB]  }
0x39: {  	_ = 	snop;
	(pc) =	sbr.ind lr, $3  }
0x3a: {  	_ = 	snop  }
0x3b: {  	_ = 	snop  }
0x3c: {  	p2 =	seq.s32 s10, $0x1;
	s10 =	sld [smem:$0x3FBA]  }
0x3d: {  	_ =	shalt  }
0x3e: {  	_ =	shalt  }
0x3f: {  	_ =	shalt  }
0x40: {  	_ =	shalt  }
0x41: {  	_ =	shalt  }
0x42: {  	_ =	shalt  }
0x43: {  	_ =	shalt  }
0x44: {  	_ =	shalt  }
0x45: {  	_ =	shalt  }
0x46: {  	_ =	shalt  }
0x47: {  	_ =	shalt  }
0x48: {  	_ =	shalt  }
0x49: {  	_ =	shalt  }
0x4a: {  	_ =	shalt  }
0x4b: {  	_ =	shalt  }
0x4c: {  	_ =	shalt  }
0x4d: {  	_ =	shalt  }
0x4e: {  	_ =	shalt  }
0x4f: {  	_ =	shalt  }
0x50: {  	_ =	shalt  }
0x51: {  	_ =	shalt  }
0x52: {  	_ =	shalt  }
0x53: {  	_ =	shalt  }
0x54: {  	_ =	shalt  }
0x55: {  	_ =	shalt  }
0x56: {  	_ =	shalt  }
0x57: {  	_ =	shalt  }
0x58: {  	_ =	shalt  }
0x59: {  	_ =	shalt  }
0x5a: {  	_ =	shalt  }
0x5b: {  	_ =	shalt  }
0x5c: {  	_ =	shalt  }
0x5d: {  	_ =	shalt  }
0x5e: {  	_ =	shalt  }
0x5f: {  	_ =	shalt  }
0x60: {  	_ =	shalt  }
0x61: {  	_ =	shalt  }
0x62: {  	_ =	shalt  }
0x63: {  	_ =	shalt  }
0x64: {  	_ =	shalt  }
0x65: {  	_ =	shalt  }
0x66: {  	_ =	shalt  }
0x67: {  	_ =	shalt  }
0x68: {  	_ =	shalt  }
0x69: {  	_ =	shalt  }
0x6a: {  	_ =	shalt  }
0x6b: {  	_ =	shalt  }
0x6c: {  	_ =	shalt  }
0x6d: {  	_ =	shalt  }
0x6e: {  	_ =	shalt  }
0x6f: {  	_ =	shalt  }
0x70: {  	_ =	shalt  }
0x71: {  	_ =	shalt  }
0x72: {  	_ =	shalt  }
0x73: {  	_ =	shalt  }
0x74: {  	_ =	shalt  }
0x75: {  	_ =	shalt  }
0x76: {  	_ =	shalt  }
0x77: {  	_ =	shalt  }
0x78: {  	_ =	shalt  }
0x79: {  	_ =	shalt  }
0x7a: {  	_ =	shalt  }
0x7b: {  	_ =	shalt  }
0x7c: {  	_ =	shalt  }
0x7d: {  	_ =	shalt  }
0x7e: {  	_ =	shalt  }
0x7f: {  	_ =	shalt  }
0x80: {  	_ =	shalt  }
0x81: {  	_ =	shalt  }
0x82: {  	_ =	shalt  }
0x83: {  	_ =	shalt  }
0x84: {  	_ =	shalt  }
0x85: {  	_ =	shalt  }
0x86: {  	_ =	shalt  }
0x87: {  	_ =	shalt  }
.Lfunc_end0:
.L_simem_size_0:
called_computation.1_lowered:
.L_overlay_start_0:
0x88: {  	s2 =	sld [smem:$0x3FD9]  }
0x89: {  	s3 =	sld [smem:$0x3FFE];
	_ =	sdelay $0x1  }
0x8a: {  	s1 =	srdreg.scid  }
0x8b: {  	s0 =	sand.u32 $0x1, s1  }
0x8c: {  	s17 =	sshll.u32 s0, $0xA;
	s2 =	sadd.s32 s3, s2  }
0x8d: {  	s2 =	sadd.s32 s2, s17  }
0x8e: {  	[smem:$0x3FC6] =	sst s2  }
0x8f: {  	_ = 	snop  }
0x90: {  	s2 =	sld [smem:$0x3FD0];
	(tm) =	ssettm $0x1  }
0x91: {  	s18 =	sld [smem:$0x3FFB];
	_ =	sdelay $0x3  }
0x92: {  	_ =	strace s18  }
0x93: {  	s3 =	sld [smem:$0x3FFC];
	_ =	sdelay $0x3  }
0x94: {  	_ =	strace s3  }
0x95: {  	s3 =	sld [smem:$0x3FFD];
	_ =	sdelay $0x3  }
0x96: {  	_ =	strace s3  }
0x97: {  	_ =	strace $0x8FFFFFFF  }
0x98: {  	s19 =	sld [smem:$0x3FDB];
	_ =	sdelay $0x1  }
0x99: {  	s4 =	simm.s32 $_scs_section_size  }
0x9a: {  	s5 =	simm.s32 $_size__tile_overlayer_lowered;
	s6 =	simm.s32 $_tile_overlayer_lowered  }
0x9b: {  	s22 =	simm.s32 $0x1BFF;
	s21 =	sshll.u32 s6, $0x1;
	s3 =	sadd.s32 s4, s19  }
0x9c: {  	s7 =	simm.s32 $0x0;
	s20 =	sshll.u32 s5, $0x1;
	s5 =	sadd.s32 s21, s3  }
0x9d: {  	[timem:s7], [sflag:s22] =	dma.local [hbm:s5], s20  }
0x9e: {  	_ =	swait.ge [sflag:s22], s20  }
0x9f: {  	s4 =	ssub.s32 $0x0, s20;
	[sflag:s22] =	ssyncset.done $0x0  }
0xa0: {  	[sflag:s22] =	ssyncadd.s32 s4;
	_ =	sdelay $0x1  }
0xa1: {  	s23 =	simm.s32 $0x1B8B  }
0xa2: {  	_ =	swait.ge [sflag:s23], $0x1  }
0xa3: {  	[sflag:s23] =	ssyncset.done $0x0  }
0xa4: {  	s25 =	simm.s32 $0x1B8E;
	s24 =	sld [smem:$0x3FFE];
	[sflag:s23] =	ssyncadd.s32 $0xFFFFFFFF  }
0xa5: {  	s26 =	simm.s32 $execute0_lowered;
	[smem:$0x3FD2] =	sst s25  }
0xa6: {  	s5 =	sshll.u32 s26, $0x1;
	_ =	strace $0x80000046;
	[dreg:$0x1] =	wrdreg $0xFFFFFFFF  }
0xa7: {  	s28 =	simm.s32 $_size_execute0_lowered;
	s3 =	sadd.s32 s3, s5;
	[dreg:$0x0] =	wrdreg $0x0  }
0xa8: {  	s5 =	sshll.u32 s28, $0x1;
	[dreg:$0x2] =	wrdreg s3  }
0xa9: {  	[dreg:$0x3] =	wrdreg s5  }
0xaa: {  	[dreg:$0x4] =	wrdreg $0xC0  }
0xab: {  	_ =	task [dreg:s7], $0x5FFFF  }
0xac: {  	[dreg:$0x1] =	wrdreg $0xFFFFFFFF  }
0xad: {  	[dreg:$0x0] =	wrdreg $0x60  }
0xae: {  	[dreg:$0x2] =	wrdreg s2  }
0xaf: {  	[dreg:$0x3] =	wrdreg s24  }
0xb0: {  	[dreg:$0x4] =	wrdreg $0x9  }
0xb1: {  	_ =	task.clear_ibuf [dreg:s7], $0x5FFFF;
	_ =	strace $0x90000046  }
0xb2: {  	s29 =	simm.s32 $0x9;
	_ =	strace $0x80000048  }
0xb3: {  	_ =	swait.ge [sflag:s29], $0x1  }
0xb4: {  	[sflag:s29] =	ssyncadd.s32 $0xFFFFFFFF  }
0xb5: {  	_ =	strace $0x90000048  }
0xb6: {  	_ =	sfence  }
0xb7: {  	s30 =	sld [smem:$0x0];
	_ =	sdelay $0x2  }
0xb8: {  	s31 =	sshll.u32 s1, $0xD;
	s1 =	sshrl.u32 s1, $0x2  }
0xb9: {  	s3 =	sand.u32 $0x4000, s31;
	s1 =	sadd.s32 s1, s30  }
0xba: {  	s0 =	sor.u32 s3, s0;
	s1 =	sshll.u32 s1, $0x11  }
0xbb: {  	s0 =	sor.u32 s1, s0  }
0xbc: {  	s0 =	sadd.s32 $0x8F2B, s0  }
0xbd: {  	[sflag:s0] =	ssyncadd.remote.s32 $0x1  }
0xbe: {  	_ =	sfence.sel $0xFFFF  }
0xbf: {  	[dreg:$0x0] =	wrdreg $0xFFFFFFFF;
	(pc) =	sbr.abs _section_cstart, $3  }
0xc0: {  	[dreg:$0x1] =	wrdreg $0xFFFFFFFF  }
0xc1: {  	_ =	task.clear_ibuf [dreg:s7], $0x2FFFF;
	_ =	strace $0x9FFFFFFF  }
0xc2: {  	(tm) =	ssettm $0x7FFFFFFF  }
0xc3: {  	_ =	shalt  }
tec
execute0_lowered:
.L_overlay_start_1:
0x0: {  	(tag) =	ssettag $0x1  }
0x1: {  	s0 =	rddreg [dreg:$0x0]  }
0x2: {  	s1 =	rddreg [dreg:$0x1];
	s3 =	srdreg.scid  }
0x3: {  	s2 =	simm.s32 $0x0;
	s10 =	stileid.u32;
	s14 =	simm.s32 $0x38  }
0x4: {  	s15 =	simm.s32 $0x80;
	s16 =	simm.s32 $0x1C0;
	s28 =	simm.s32 $0x4  }
0x5: {  	s29 =	simm.s32 $0x6;
	s4 =	sand.u32 $0x1, s3;
	[smem:$0x7FF] =	sst s2  }
0x6: {  	s17 =	sshll.u32 s10, $0xA;
	s3 =	sadd.s32 $0xF43000, s1;
	s1 =	sadd.s32 $0xC00, s1  }
0x7: {  	s24 =	smul.u32 $0xE0000, s10;
	s30 =	sshll.u32 s10, $0xE;
	s5 =	sshll.u32 s4, $0x9  }
0x8: {  	_ =	strace $0x80000047;
	s6 =	ssub.s32 $0x2, s4;
	s26 =	smul.u32 $0x70000, s4  }
0x9: {  	s4 =	sshll.u32 s4, $0xD;
	s5 =	sor.u32 s5, s17;
	s8 =	sshrl.u32 s6, $0x1  }
0xa: {  	s17 =	simm.s32 $0x1;
	s7 =	smul.u32 $0x1C00, s5;
	s6 =	ssub.s32 s6, s8  }
0xb: {  	s9 =	sshll.u32 s5, $0x4;
	s5 =	smul.u32 $0x380, s5;
	s22 =	smax.u32 s6, $0x1  }
0xc: {  	s9 =	sadd.s32 s0, s9;
	s0 =	sadd.s32 s30, s0;
	[dreg:$0x9] =	wrdreg s22  }
0xd: {  	s7 =	sshrl.u32 s7, $0x3;
	s18 =	sadd.s32 $0x80, s9;
	[dreg:$0x4] =	wrdreg s9  }
0xe: {  	s19 =	sadd.s32 s1, s5;
	s20 =	sadd.s32 $0x100, s9;
	[dreg:$0x5] =	wrdreg s18  }
0xf: {  	s25 =	sadd.s32 $0x1F80, s9;
	s0 =	sadd.s32 s4, s0;
	[dreg:$0x7] =	wrdreg s20  }
0x10: {  	s5 =	simm.s32 $0x3B80;
	s4 =	simm.s32 $0x0;
	[dreg:$0xb] =	wrdreg s25  }
0x11: {  	s7 =	sadd.s32 s1, s7;
	[dreg:$0x6] =	wrdreg s19;
	s31 =	sadd.s32 $0x6C800, s19  }
0x12: {  	s1 =	sadd.s32 s24, s1;
	s0 =	sadd.s32 $0x200, s0;
	[dreg:$0xc] =	wrdreg s31  }
0x13: {  	s18 =	simm.s32 $0x380;
	s21 =	sadd.s32 $0x6E400, s7;
	[dreg:$0xd] =	wrdreg s0  }
0x14: {  	s24 =	simm.s32 $0x3;
	s23 =	sadd.s32 $0x6AC00, s7;
	[dreg:$0x8] =	wrdreg s21  }
0x15: {  	s25 =	simm.s32 $0x20;
	s1 =	sadd.s32 s26, s1;
	[dreg:$0xa] =	wrdreg s23  }
0x16: {  	s26 =	simm.s32 $0x5;
	[dreg:$0x3] =	wrdreg s1;
	s1 =	simm.s32 $0x2  }
.LBB2_1:
0x17: {  	[dreg:$0xe] =	wrdreg s4  }
0x18: {  	s0 =	rddreg [dreg:$0x4]  }
0x19: {  	[tilespmem:s2], [sflag:$0x1] =	stream.strided.gather [hbm4b:s0+s14], $0x1C0, s15, s14, $0x38;
	[tilespmem:$0x7380] =	vst v63  }
0x1a: {  	s11 =	rddreg [dreg:$0x5]  }
0x1b: {  	[tilespmem:s16], [sflag:$0x2] =	stream.strided.gather [hbm4b:s11+s14], $0x1C0, s15, s14, $0x38;
	[tilespmem:$0x7380] =	vst v63  }
0x1c: {  	_ =	swait.ge [sflag:s17], $0x1C0  }
0x1d: {  	[sflag:s17] =	ssyncset.done $0x0  }
0x1e: {  	[sflag:s17] =	ssyncadd.s32 $0xFFFFFE40  }
0x1f: {  	[tilespmem:s18], [sflag:$0x3] =	stream.indirect.gather [hbm4b:s3+s14], $0x20, s2, s14, $0xb8;
	[tilespmem:$0x7380] =	vst v63  }
0x20: {  	s6 =	simm.s32 $0xA80  }
0x21: {  	[tilespmem:s6], [sflag:$0x3] =	stream.indirect.gather [hbm4b:s3+s14], $0x20, s14, s14, $0xb8;
	[tilespmem:$0x7380] =	vst v63  }
0x22: {  	s4 =	simm.s32 $0x70;
	s30 =	simm.s32 $0x1180  }
0x23: {  	[tilespmem:s30], [sflag:$0x3] =	stream.indirect.gather [hbm4b:s3+s14], $0x20, s4, s14, $0xb8;
	[tilespmem:$0x7380] =	vst v63  }
0x24: {  	s13 =	simm.s32 $0xA8;
	s7 =	simm.s32 $0x1880  }
0x25: {  	[tilespmem:s7], [sflag:$0x3] =	stream.indirect.gather [hbm4b:s3+s14], $0x20, s13, s14, $0xb8;
	[tilespmem:$0x7380] =	vst v63  }
0x26: {  	s23 =	simm.s32 $0xE0;
	s8 =	simm.s32 $0x1F80  }
0x27: {  	[tilespmem:s8], [sflag:$0x3] =	stream.indirect.gather [hbm4b:s3+s14], $0x20, s23, s14, $0xb8;
	[tilespmem:$0x7380] =	vst v63  }
0x28: {  	s12 =	simm.s32 $0x118;
	s31 =	simm.s32 $0x2680  }
0x29: {  	[tilespmem:s31], [sflag:$0x3] =	stream.indirect.gather [hbm4b:s3+s14], $0x20, s12, s14, $0xb8;
	[tilespmem:$0x7380] =	vst v63  }
0x2a: {  	s19 =	simm.s32 $0x150;
	s9 =	simm.s32 $0x2D80  }
0x2b: {  	[tilespmem:s9], [sflag:$0x3] =	stream.indirect.gather [hbm4b:s3+s14], $0x20, s19, s14, $0xb8;
	[tilespmem:$0x7380] =	vst v63  }
0x2c: {  	s20 =	simm.s32 $0x188;
	s21 =	simm.s32 $0x3480  }
0x2d: {  	[tilespmem:s21], [sflag:$0x3] =	stream.indirect.gather [hbm4b:s3+s14], $0x20, s20, s14, $0xb8;
	[tilespmem:$0x7380] =	vst v63  }
0x2e: {  	_ =	swait.ge [sflag:s1], $0x1C0  }
0x2f: {  	[sflag:s1] =	ssyncset.done $0x0  }
0x30: {  	[sflag:s1] =	ssyncadd.s32 $0xFFFFFE40  }
0x31: {  	[tilespmem:s5], [sflag:$0x4] =	stream.indirect.gather [hbm4b:s3+s14], $0x20, s16, s14, $0xb8;
	[tilespmem:$0x7380] =	vst v63  }
0x32: {  	s10 =	simm.s32 $0x1F8;
	s19 =	simm.s32 $0x4280  }
0x33: {  	[tilespmem:s19], [sflag:$0x4] =	stream.indirect.gather [hbm4b:s3+s14], $0x20, s10, s14, $0xb8;
	[tilespmem:$0x7380] =	vst v63  }
0x34: {  	s12 =	simm.s32 $0x230;
	s21 =	simm.s32 $0x4980  }
0x35: {  	[tilespmem:s21], [sflag:$0x4] =	stream.indirect.gather [hbm4b:s3+s14], $0x20, s12, s14, $0xb8;
	[tilespmem:$0x7380] =	vst v63  }
0x36: {  	s22 =	simm.s32 $0x5080;
	s20 =	simm.s32 $0x268  }
0x37: {  	[tilespmem:s22], [sflag:$0x4] =	stream.indirect.gather [hbm4b:s3+s14], $0x20, s20, s14, $0xb8;
	[tilespmem:$0x7380] =	vst v63  }
0x38: {  	s11 =	simm.s32 $0x5780;
	s22 =	simm.s32 $0x2A0  }
0x39: {  	[tilespmem:s11], [sflag:$0x4] =	stream.indirect.gather [hbm4b:s3+s14], $0x20, s22, s14, $0xb8;
	[tilespmem:$0x7380] =	vst v63  }
0x3a: {  	s0 =	simm.s32 $0x2D8;
	s9 =	simm.s32 $0x5E80  }
0x3b: {  	[tilespmem:s9], [sflag:$0x4] =	stream.indirect.gather [hbm4b:s3+s14], $0x20, s0, s14, $0xb8;
	[tilespmem:$0x7380] =	vst v63  }
0x3c: {  	s0 =	simm.s32 $0x310;
	s9 =	simm.s32 $0x6580  }
0x3d: {  	[tilespmem:s9], [sflag:$0x4] =	stream.indirect.gather [hbm4b:s3+s14], $0x20, s0, s14, $0xb8;
	[tilespmem:$0x7380] =	vst v63  }
0x3e: {  	s0 =	simm.s32 $0x348;
	s9 =	simm.s32 $0x6C80  }
0x3f: {  	[tilespmem:s9], [sflag:$0x4] =	stream.indirect.gather [hbm4b:s3+s14], $0x20, s0, s14, $0xb8;
	[tilespmem:$0x7380] =	vst v63  }
0x40: {  	_ =	swait.ge [sflag:s24], $0x3800  }
0x41: {  	[sflag:s24] =	ssyncset.done $0x0  }
0x42: {  	s9 =	rddreg [dreg:$0x6];
	[sflag:s24] =	ssyncadd.s32 $0xFFFFC800  }
0x43: {  	[hbm4b:s9+s25] =	stream.strided.scatter [tilespmem:s18], [sflag:$0x5], $0x3800, s15, s25, $0x38;
	[tilespmem:$0x7380] =	vst v63  }
0x44: {  	s9 =	rddreg [dreg:$0x7]  }
0x45: {  	[tilespmem:s2], [sflag:$0x1] =	stream.strided.gather [hbm4b:s9+s14], $0x1C0, s15, s14, $0x38;
	[tilespmem:$0x7380] =	vst v63  }
0x46: {  	_ =	swait.ge [sflag:s17], $0x1C0  }
0x47: {  	[sflag:s17] =	ssyncset.done $0x0  }
0x48: {  	[sflag:s17] =	ssyncadd.s32 $0xFFFFFE40  }
0x49: {  	_ =	swait.ge [sflag:s26], $0x3800  }
0x4a: {  	[sflag:s26] =	ssyncset.done $0x0  }
0x4b: {  	[sflag:s26] =	ssyncadd.s32 $0xFFFFC800  }
0x4c: {  	[tilespmem:s18], [sflag:$0x3] =	stream.indirect.gather [hbm4b:s3+s14], $0x20, s2, s14, $0xb8;
	[tilespmem:$0x7380] =	vst v63  }
0x4d: {  	_ = 	snop  }
0x4e: {  	[tilespmem:s6], [sflag:$0x3] =	stream.indirect.gather [hbm4b:s3+s14], $0x20, s14, s14, $0xb8;
	[tilespmem:$0x7380] =	vst v63  }
0x4f: {  	_ = 	snop  }
0x50: {  	[tilespmem:s30], [sflag:$0x3] =	stream.indirect.gather [hbm4b:s3+s14], $0x20, s4, s14, $0xb8;
	[tilespmem:$0x7380] =	vst v63  }
0x51: {  	_ = 	snop  }
0x52: {  	[tilespmem:s7], [sflag:$0x3] =	stream.indirect.gather [hbm4b:s3+s14], $0x20, s13, s14, $0xb8;
	[tilespmem:$0x7380] =	vst v63  }
0x53: {  	_ = 	snop  }
0x54: {  	[tilespmem:s8], [sflag:$0x3] =	stream.indirect.gather [hbm4b:s3+s14], $0x20, s23, s14, $0xb8;
	[tilespmem:$0x7380] =	vst v63  }
0x55: {  	s9 =	simm.s32 $0x118  }
0x56: {  	[tilespmem:s31], [sflag:$0x3] =	stream.indirect.gather [hbm4b:s3+s14], $0x20, s9, s14, $0xb8;
	[tilespmem:$0x7380] =	vst v63  }
0x57: {  	s13 =	simm.s32 $0x150;
	s23 =	simm.s32 $0x2D80  }
0x58: {  	[tilespmem:s23], [sflag:$0x3] =	stream.indirect.gather [hbm4b:s3+s14], $0x20, s13, s14, $0xb8;
	[tilespmem:$0x7380] =	vst v63  }
0x59: {  	s6 =	simm.s32 $0x3480;
	s4 =	simm.s32 $0x188  }
0x5a: {  	[tilespmem:s6], [sflag:$0x3] =	stream.indirect.gather [hbm4b:s3+s14], $0x20, s4, s14, $0xb8;
	[tilespmem:$0x7380] =	vst v63  }
0x5b: {  	_ =	swait.ge [sflag:s28], $0x3800  }
0x5c: {  	s7 =	rddreg [dreg:$0x3]  }
0x5d: {  	[sflag:s28] =	ssyncset.done $0x0;
	s0 =	sadd.s32 $0x0, s7  }
0x5e: {  	[sflag:s28] =	ssyncadd.s32 $0xFFFFC800;
	s7 =	rddreg [dreg:$0xd];
	s30 =	sadd.s32 $0x1C00, s0  }
0x5f: {  	[hbm4b:s30+s25] =	stream.strided.scatter [tilespmem:s5], [sflag:$0x6], $0x3800, s15, s25, $0x38;
	[tilespmem:$0x7380] =	vst v63  }
0x60: {  	s30 =	sadd.s32 $0xFFFFFF80, s7  }
0x61: {  	[tilespmem:s16], [sflag:$0x2] =	stream.strided.gather [hbm4b:s30+s14], $0x1C0, s15, s14, $0x38;
	[tilespmem:$0x7380] =	vst v63  }
0x62: {  	_ =	swait.ge [sflag:s1], $0x1C0  }
0x63: {  	[sflag:s1] =	ssyncset.done $0x0  }
0x64: {  	[sflag:s1] =	ssyncadd.s32 $0xFFFFFE40  }
0x65: {  	_ =	swait.ge [sflag:s29], $0x3800  }
0x66: {  	[sflag:s29] =	ssyncset.done $0x0  }
0x67: {  	[sflag:s29] =	ssyncadd.s32 $0xFFFFC800  }
0x68: {  	[tilespmem:s5], [sflag:$0x4] =	stream.indirect.gather [hbm4b:s3+s14], $0x20, s16, s14, $0xb8;
	[tilespmem:$0x7380] =	vst v63  }
0x69: {  	_ = 	snop  }
0x6a: {  	[tilespmem:s19], [sflag:$0x4] =	stream.indirect.gather [hbm4b:s3+s14], $0x20, s10, s14, $0xb8;
	[tilespmem:$0x7380] =	vst v63  }
0x6b: {  	_ = 	snop  }
0x6c: {  	[tilespmem:s21], [sflag:$0x4] =	stream.indirect.gather [hbm4b:s3+s14], $0x20, s12, s14, $0xb8;
	[tilespmem:$0x7380] =	vst v63  }
0x6d: {  	s8 =	simm.s32 $0x5080  }
0x6e: {  	[tilespmem:s8], [sflag:$0x4] =	stream.indirect.gather [hbm4b:s3+s14], $0x20, s20, s14, $0xb8;
	[tilespmem:$0x7380] =	vst v63  }
0x6f: {  	s9 =	simm.s32 $0x4280;
	s23 =	simm.s32 $0x5080;
	s13 =	simm.s32 $0x2D8  }
0x70: {  	[tilespmem:s11], [sflag:$0x4] =	stream.indirect.gather [hbm4b:s3+s14], $0x20, s22, s14, $0xb8;
	[tilespmem:$0x7380] =	vst v63  }
0x71: {  	s6 =	simm.s32 $0x1F8;
	s11 =	simm.s32 $0x2D8;
	s22 =	simm.s32 $0x5E80  }
0x72: {  	[tilespmem:s22], [sflag:$0x4] =	stream.indirect.gather [hbm4b:s3+s14], $0x20, s11, s14, $0xb8;
	[tilespmem:$0x7380] =	vst v63  }
0x73: {  	s4 =	simm.s32 $0x6580;
	s8 =	simm.s32 $0x310;
	s11 =	simm.s32 $0x6580  }
0x74: {  	[tilespmem:s11], [sflag:$0x4] =	stream.indirect.gather [hbm4b:s3+s14], $0x20, s8, s14, $0xb8;
	[tilespmem:$0x7380] =	vst v63  }
0x75: {  	s0 =	sadd.s32 $0x3800, s0;
	s8 =	simm.s32 $0x348;
	s11 =	simm.s32 $0x6C80  }
0x76: {  	[tilespmem:s11], [sflag:$0x4] =	stream.indirect.gather [hbm4b:s3+s14], $0x20, s8, s14, $0xb8;
	[tilespmem:$0x7380] =	vst v63  }
0x77: {  	s31 =	sadd.s32 $0x100, s7;
	s30 =	simm.s32 $0x3800;
	_ =	swait.ge [sflag:s24], $0x3800  }
0x78: {  	s10 =	simm.s32 $0x230;
	s19 =	simm.s32 $0x4980;
	[sflag:s24] =	ssyncset.done $0x0  }
0x79: {  	s21 =	simm.s32 $0x268;
	s12 =	simm.s32 $0x5780;
	[sflag:s24] =	ssyncadd.s32 $0xFFFFC800  }
0x7a: {  	[hbm4b:s0+s25] =	stream.strided.scatter [tilespmem:s18], [sflag:$0x5], $0x3800, s15, s25, $0x38;
	[tilespmem:$0x7380] =	vst v63  }
0x7b: {  	s20 =	simm.s32 $0x5E80;
	s22 =	simm.s32 $0x310;
	s0 =	smov.u32 s7  }
.LBB2_2:
0x7c: {  	[tilespmem:s2], [sflag:$0x1] =	stream.strided.gather [hbm4b:s0+s14], $0x1C0, s15, s14, $0x38;
	[tilespmem:$0x7380] =	vst v63  }
0x7d: {  	_ =	swait.ge [sflag:s17], $0x1C0  }
0x7e: {  	[sflag:s17] =	ssyncset.done $0x0  }
0x7f: {  	[sflag:s17] =	ssyncadd.s32 $0xFFFFFE40  }
0x80: {  	_ =	swait.ge [sflag:s26], $0x3800  }
0x81: {  	[sflag:s26] =	ssyncset.done $0x0  }
0x82: {  	[sflag:s26] =	ssyncadd.s32 $0xFFFFC800  }
0x83: {  	[tilespmem:s18], [sflag:$0x3] =	stream.indirect.gather [hbm4b:s3+s14], $0x20, s2, s14, $0xb8;
	[tilespmem:$0x7380] =	vst v63  }
0x84: {  	s8 =	simm.s32 $0xA80  }
0x85: {  	[tilespmem:s8], [sflag:$0x3] =	stream.indirect.gather [hbm4b:s3+s14], $0x20, s14, s14, $0xb8;
	[tilespmem:$0x7380] =	vst v63  }
0x86: {  	s11 =	simm.s32 $0x1180;
	s8 =	simm.s32 $0x70  }
0x87: {  	[tilespmem:s11], [sflag:$0x3] =	stream.indirect.gather [hbm4b:s3+s14], $0x20, s8, s14, $0xb8;
	[tilespmem:$0x7380] =	vst v63  }
0x88: {  	s8 =	simm.s32 $0xA8;
	s11 =	simm.s32 $0x1880  }
0x89: {  	[tilespmem:s11], [sflag:$0x3] =	stream.indirect.gather [hbm4b:s3+s14], $0x20, s8, s14, $0xb8;
	[tilespmem:$0x7380] =	vst v63  }
0x8a: {  	s8 =	simm.s32 $0xE0;
	s11 =	simm.s32 $0x1F80  }
0x8b: {  	[tilespmem:s11], [sflag:$0x3] =	stream.indirect.gather [hbm4b:s3+s14], $0x20, s8, s14, $0xb8;
	[tilespmem:$0x7380] =	vst v63  }
0x8c: {  	s8 =	simm.s32 $0x118;
	s11 =	simm.s32 $0x2680  }
0x8d: {  	[tilespmem:s11], [sflag:$0x3] =	stream.indirect.gather [hbm4b:s3+s14], $0x20, s8, s14, $0xb8;
	[tilespmem:$0x7380] =	vst v63  }
0x8e: {  	s8 =	simm.s32 $0x150;
	s11 =	simm.s32 $0x2D80  }
0x8f: {  	[tilespmem:s11], [sflag:$0x3] =	stream.indirect.gather [hbm4b:s3+s14], $0x20, s8, s14, $0xb8;
	[tilespmem:$0x7380] =	vst v63  }
0x90: {  	s8 =	simm.s32 $0x188;
	s11 =	simm.s32 $0x3480  }
0x91: {  	[tilespmem:s11], [sflag:$0x3] =	stream.indirect.gather [hbm4b:s3+s14], $0x20, s8, s14, $0xb8;
	[tilespmem:$0x7380] =	vst v63  }
0x92: {  	_ =	swait.ge [sflag:s28], $0x3800  }
0x93: {  	s7 =	smov.u32 s30;
	s11 =	rddreg [dreg:$0x3]  }
0x94: {  	[sflag:s28] =	ssyncset.done $0x0;
	s7 =	sadd.s32 s7, s11  }
0x95: {  	[sflag:s28] =	ssyncadd.s32 $0xFFFFC800;
	s8 =	sadd.s32 $0x1C00, s7  }
0x96: {  	[hbm4b:s8+s25] =	stream.strided.scatter [tilespmem:s5], [sflag:$0x6], $0x3800, s15, s25, $0x38;
	[tilespmem:$0x7380] =	vst v63  }
0x97: {  	s11 =	sadd.s32 $0xFFFFFF80, s31  }
0x98: {  	[tilespmem:s16], [sflag:$0x2] =	stream.strided.gather [hbm4b:s11+s14], $0x1C0, s15, s14, $0x38;
	[tilespmem:$0x7380] =	vst v63  }
0x99: {  	_ =	swait.ge [sflag:s1], $0x1C0  }
0x9a: {  	[sflag:s1] =	ssyncset.done $0x0  }
0x9b: {  	[sflag:s1] =	ssyncadd.s32 $0xFFFFFE40  }
0x9c: {  	_ =	swait.ge [sflag:s29], $0x3800  }
0x9d: {  	[sflag:s29] =	ssyncset.done $0x0  }
0x9e: {  	[sflag:s29] =	ssyncadd.s32 $0xFFFFC800  }
0x9f: {  	[tilespmem:s5], [sflag:$0x4] =	stream.indirect.gather [hbm4b:s3+s14], $0x20, s16, s14, $0xb8;
	[tilespmem:$0x7380] =	vst v63  }
0xa0: {  	_ = 	snop  }
0xa1: {  	[tilespmem:s9], [sflag:$0x4] =	stream.indirect.gather [hbm4b:s3+s14], $0x20, s6, s14, $0xb8;
	[tilespmem:$0x7380] =	vst v63  }
0xa2: {  	_ = 	snop  }
0xa3: {  	[tilespmem:s19], [sflag:$0x4] =	stream.indirect.gather [hbm4b:s3+s14], $0x20, s10, s14, $0xb8;
	[tilespmem:$0x7380] =	vst v63  }
0xa4: {  	_ = 	snop  }
0xa5: {  	[tilespmem:s23], [sflag:$0x4] =	stream.indirect.gather [hbm4b:s3+s14], $0x20, s21, s14, $0xb8;
	[tilespmem:$0x7380] =	vst v63  }
0xa6: {  	s11 =	simm.s32 $0x2A0  }
0xa7: {  	[tilespmem:s12], [sflag:$0x4] =	stream.indirect.gather [hbm4b:s3+s14], $0x20, s11, s14, $0xb8;
	[tilespmem:$0x7380] =	vst v63  }
0xa8: {  	_ = 	snop  }
0xa9: {  	[tilespmem:s20], [sflag:$0x4] =	stream.indirect.gather [hbm4b:s3+s14], $0x20, s13, s14, $0xb8;
	[tilespmem:$0x7380] =	vst v63  }
0xaa: {  	_ = 	snop  }
0xab: {  	[tilespmem:s4], [sflag:$0x4] =	stream.indirect.gather [hbm4b:s3+s14], $0x20, s22, s14, $0xb8;
	[tilespmem:$0x7380] =	vst v63  }
0xac: {  	p0 =	sne.s32 s30, $0x65800;
	s8 =	simm.s32 $0x348;
	s11 =	simm.s32 $0x6C80  }
0xad: {  	[tilespmem:s11], [sflag:$0x4] =	stream.indirect.gather [hbm4b:s3+s14], $0x20, s8, s14, $0xb8;
	[tilespmem:$0x7380] =	vst v63  }
.Ltmp0:
0xae: {  	_ = 	snop;
	(pc) =	sbr.rel @p0 .LBB2_2-.Ltmp0, $4  }
0xaf: {  	_ =	swait.ge [sflag:s24], $0x3800  }
0xb0: {  	s0 =	smov.u32 s31;
	s30 =	sadd.s32 $0x3800, s30;
	[sflag:s24] =	ssyncset.done $0x0  }
0xb1: {  	s31 =	sadd.s32 $0x100, s31;
	s7 =	sadd.s32 $0x3800, s7;
	[sflag:s24] =	ssyncadd.s32 $0xFFFFC800  }
0xb2: {  	[hbm4b:s7+s25] =	stream.strided.scatter [tilespmem:s18], [sflag:$0x5], $0x3800, s15, s25, $0x38;
	[tilespmem:$0x7380] =	vst v63  }
0xb3: {  	[tilespmem:s2], [sflag:$0x1] =	stream.strided.gather [hbm4b:s0+s14], $0x1C0, s15, s14, $0x38;
	[tilespmem:$0x7380] =	vst v63  }
0xb4: {  	_ =	swait.ge [sflag:s17], $0x1C0  }
0xb5: {  	[sflag:s17] =	ssyncset.done $0x0  }
0xb6: {  	[sflag:s17] =	ssyncadd.s32 $0xFFFFFE40  }
0xb7: {  	_ =	swait.ge [sflag:s26], $0x3800  }
0xb8: {  	[sflag:s26] =	ssyncset.done $0x0  }
0xb9: {  	[sflag:s26] =	ssyncadd.s32 $0xFFFFC800  }
0xba: {  	[tilespmem:s18], [sflag:$0x3] =	stream.indirect.gather [hbm4b:s3+s14], $0x20, s2, s14, $0xb8;
	[tilespmem:$0x7380] =	vst v63  }
0xbb: {  	s8 =	simm.s32 $0xA80  }
0xbc: {  	[tilespmem:s8], [sflag:$0x3] =	stream.indirect.gather [hbm4b:s3+s14], $0x20, s14, s14, $0xb8;
	[tilespmem:$0x7380] =	vst v63  }
0xbd: {  	s11 =	simm.s32 $0x70;
	s7 =	simm.s32 $0x1180  }
0xbe: {  	[tilespmem:s7], [sflag:$0x3] =	stream.indirect.gather [hbm4b:s3+s14], $0x20, s11, s14, $0xb8;
	[tilespmem:$0x7380] =	vst v63  }
0xbf: {  	s30 =	simm.s32 $0xA8;
	s31 =	simm.s32 $0x1880  }
0xc0: {  	[tilespmem:s31], [sflag:$0x3] =	stream.indirect.gather [hbm4b:s3+s14], $0x20, s30, s14, $0xb8;
	[tilespmem:$0x7380] =	vst v63  }
0xc1: {  	s8 =	simm.s32 $0xE0;
	s11 =	simm.s32 $0x1F80  }
0xc2: {  	[tilespmem:s11], [sflag:$0x3] =	stream.indirect.gather [hbm4b:s3+s14], $0x20, s8, s14, $0xb8;
	[tilespmem:$0x7380] =	vst v63  }
0xc3: {  	s30 =	simm.s32 $0x118;
	s31 =	simm.s32 $0x2680  }
0xc4: {  	[tilespmem:s31], [sflag:$0x3] =	stream.indirect.gather [hbm4b:s3+s14], $0x20, s30, s14, $0xb8;
	[tilespmem:$0x7380] =	vst v63  }
0xc5: {  	s8 =	simm.s32 $0x150;
	s11 =	simm.s32 $0x2D80  }
0xc6: {  	[tilespmem:s11], [sflag:$0x3] =	stream.indirect.gather [hbm4b:s3+s14], $0x20, s8, s14, $0xb8;
	[tilespmem:$0x7380] =	vst v63  }
0xc7: {  	s30 =	simm.s32 $0x188;
	s31 =	simm.s32 $0x3480  }
0xc8: {  	[tilespmem:s31], [sflag:$0x3] =	stream.indirect.gather [hbm4b:s3+s14], $0x20, s30, s14, $0xb8;
	[tilespmem:$0x7380] =	vst v63  }
0xc9: {  	_ =	swait.ge [sflag:s28], $0x3800  }
0xca: {  	[sflag:s28] =	ssyncset.done $0x0  }
0xcb: {  	s8 =	rddreg [dreg:$0xa];
	[sflag:s28] =	ssyncadd.s32 $0xFFFFC800  }
0xcc: {  	[hbm4b:s8+s25] =	stream.strided.scatter [tilespmem:s5], [sflag:$0x6], $0x3800, s15, s25, $0x38;
	[tilespmem:$0x7380] =	vst v63  }
0xcd: {  	s11 =	rddreg [dreg:$0xb]  }
0xce: {  	[tilespmem:s16], [sflag:$0x2] =	stream.strided.gather [hbm4b:s11+s14], $0x1C0, s15, s14, $0x38;
	[tilespmem:$0x7380] =	vst v63  }
0xcf: {  	_ =	swait.ge [sflag:s1], $0x1C0  }
0xd0: {  	[sflag:s1] =	ssyncset.done $0x0  }
0xd1: {  	[sflag:s1] =	ssyncadd.s32 $0xFFFFFE40  }
0xd2: {  	_ =	swait.ge [sflag:s29], $0x3800  }
0xd3: {  	[sflag:s29] =	ssyncset.done $0x0  }
0xd4: {  	[sflag:s29] =	ssyncadd.s32 $0xFFFFC800  }
0xd5: {  	[tilespmem:s5], [sflag:$0x4] =	stream.indirect.gather [hbm4b:s3+s14], $0x20, s16, s14, $0xb8;
	[tilespmem:$0x7380] =	vst v63  }
0xd6: {  	_ = 	snop  }
0xd7: {  	[tilespmem:s9], [sflag:$0x4] =	stream.indirect.gather [hbm4b:s3+s14], $0x20, s6, s14, $0xb8;
	[tilespmem:$0x7380] =	vst v63  }
0xd8: {  	_ = 	snop  }
0xd9: {  	[tilespmem:s19], [sflag:$0x4] =	stream.indirect.gather [hbm4b:s3+s14], $0x20, s10, s14, $0xb8;
	[tilespmem:$0x7380] =	vst v63  }
0xda: {  	_ = 	snop  }
0xdb: {  	[tilespmem:s23], [sflag:$0x4] =	stream.indirect.gather [hbm4b:s3+s14], $0x20, s21, s14, $0xb8;
	[tilespmem:$0x7380] =	vst v63  }
0xdc: {  	s19 =	simm.s32 $0x2A0  }
0xdd: {  	[tilespmem:s12], [sflag:$0x4] =	stream.indirect.gather [hbm4b:s3+s14], $0x20, s19, s14, $0xb8;
	[tilespmem:$0x7380] =	vst v63  }
0xde: {  	_ = 	snop  }
0xdf: {  	[tilespmem:s20], [sflag:$0x4] =	stream.indirect.gather [hbm4b:s3+s14], $0x20, s13, s14, $0xb8;
	[tilespmem:$0x7380] =	vst v63  }
0xe0: {  	_ = 	snop  }
0xe1: {  	[tilespmem:s4], [sflag:$0x4] =	stream.indirect.gather [hbm4b:s3+s14], $0x20, s22, s14, $0xb8;
	[tilespmem:$0x7380] =	vst v63  }
0xe2: {  	s21 =	simm.s32 $0x6C80;
	s20 =	simm.s32 $0x348  }
0xe3: {  	[tilespmem:s21], [sflag:$0x4] =	stream.indirect.gather [hbm4b:s3+s14], $0x20, s20, s14, $0xb8;
	[tilespmem:$0x7380] =	vst v63  }
0xe4: {  	_ =	swait.ge [sflag:s24], $0x3800  }
0xe5: {  	[sflag:s24] =	ssyncset.done $0x0  }
0xe6: {  	s22 =	rddreg [dreg:$0xc];
	[sflag:s24] =	ssyncadd.s32 $0xFFFFC800  }
0xe7: {  	[hbm4b:s22+s25] =	stream.strided.scatter [tilespmem:s18], [sflag:$0x5], $0x3800, s15, s25, $0x38;
	[tilespmem:$0x7380] =	vst v63  }
0xe8: {  	_ =	swait.ge [sflag:s28], $0x3800  }
0xe9: {  	[sflag:s28] =	ssyncset.done $0x0  }
0xea: {  	s23 =	rddreg [dreg:$0x8];
	[sflag:s28] =	ssyncadd.s32 $0xFFFFC800  }
0xeb: {  	[hbm4b:s23+s25] =	stream.strided.scatter [tilespmem:s5], [sflag:$0x6], $0x3800, s15, s25, $0x38;
	[tilespmem:$0x7380] =	vst v63  }
0xec: {  	_ =	swait.ge [sflag:s26], $0x3800  }
0xed: {  	[sflag:s26] =	ssyncset.done $0x0  }
0xee: {  	[sflag:s26] =	ssyncadd.s32 $0xFFFFC800  }
0xef: {  	_ =	swait.ge [sflag:s29], $0x3800  }
0xf0: {  	s30 =	rddreg [dreg:$0xe]  }
0xf1: {  	s31 =	rddreg [dreg:$0x9];
	s4 =	sadd.s32 $0x1, s30  }
0xf2: {  	p0 =	sne.s32 s4, s31  }
.Ltmp1:
0xf3: {  	_ = 	snop;
	(pc) =	sbr.rel @p0 .LBB2_1-.Ltmp1, $3  }
0xf4: {  	_ =	sdelay $0x1  }
0xf5: {  	[sflag:s29] =	ssyncset.done $0x0  }
0xf6: {  	[sflag:s29] =	ssyncadd.s32 $0xFFFFC800  }
0xf7: {  	_ =	sfence.sel $0x180000  }
0xf8: {  	[bflag:$0x0] =	sbarrier.arrive $0xFFFF  }
0xf9: {  	_ =	strace $0x90000047  }
0xfa: {  	s0 =	stileid.u32;
	[bflag:$0x2] =	sbarrier.arrive $0xFFFF  }
0xfb: {  	p0 =	sne.s32 s0, $0x0;
	s0 =	rddreg [dreg:$0x2]  }
0xfc: {  	s0 =	sadd.s32 @!p0 $0x100000, s0  }
0xfd: {  	[sflag:s0] =	ssyncadd.tile.s32 @!p0 $0x1;
	_ =	shalt  }
.Lfunc_end2:
_tile_overlayer_lowered:
.L_overlay_start_2:
0xfe: {  	(tag) =	ssettag $0x2  }
0xff: {  	s0 =	rddreg [dreg:$0x0];
	s2 =	stileid.u32  }
0x100: {  	s1 =	rddreg [dreg:$0x1];
	p0 =	sne.s32 s2, $0x0  }
0x101: {  	s3 =	rddreg [dreg:$0x2];
	[bflag:$0x3] =	sbarrier.arrive $0xFFFF;
	s2 =	simm.s32 @!p0 $0x1C07  }
0x102: {  	[timem:s3], [sflag:s2] =	dma.local @!p0 [hbm:s0], s1  }
0x103: {  	s0 =	simm.s32 @!p0 $0x7  }
0x104: {  	_ =	swait.ge @!p0 [sflag:s0], s1  }
0x105: {  	s1 =	ssub.s32 @!p0 $0x0, s1;
	[sflag:s0] =	ssyncset.done @!p0 $0x0  }
0x106: {  	[sflag:s0] =	ssyncadd.s32 @!p0 s1  }
0x107: {  	[bflag:$0x3] =	sbarrier.arrive $0xFFFF  }
0x108: {  	_ =	shalt  }

// kernel: sparse-core-data-format-call.cloned.1.call-start
scs
called_computation_lowered:
.L_overlay_start_0:
0x0: {  	s2 =	sld [smem:$0x3FD9]  }
0x1: {  	s3 =	sld [smem:$0x3FFE];
	_ =	sdelay $0x1  }
0x2: {  	s1 =	srdreg.scid  }
0x3: {  	s0 =	sand.u32 $0x1, s1  }
0x4: {  	s18 =	sshll.u32 s0, $0xA;
	s2 =	sadd.s32 s3, s2  }
0x5: {  	s2 =	sadd.s32 s2, s18  }
0x6: {  	[smem:$0x3FC6] =	sst s2  }
0x7: {  	_ = 	snop  }
0x8: {  	s2 =	sld [smem:$0x3FD0];
	(tm) =	ssettm $0x1  }
0x9: {  	s19 =	sld [smem:$0x3FFB];
	_ =	sdelay $0x3  }
0xa: {  	_ =	strace s19  }
0xb: {  	s3 =	sld [smem:$0x3FFC];
	_ =	sdelay $0x3  }
0xc: {  	_ =	strace s3  }
0xd: {  	s3 =	sld [smem:$0x3FFD];
	_ =	sdelay $0x3  }
0xe: {  	_ =	strace s3  }
0xf: {  	_ =	strace $0x8FFFFFFF  }
0x10: {  	s20 =	sld [smem:$0x3FDB];
	_ =	sdelay $0x1  }
0x11: {  	s4 =	simm.s32 $_scs_section_size  }
0x12: {  	s5 =	simm.s32 $_size__tile_overlayer_lowered;
	s6 =	simm.s32 $_tile_overlayer_lowered  }
0x13: {  	s23 =	simm.s32 $0x1BFF;
	s22 =	sshll.u32 s6, $0x1;
	s3 =	sadd.s32 s4, s20  }
0x14: {  	s7 =	simm.s32 $0x0;
	s21 =	sshll.u32 s5, $0x1;
	s5 =	sadd.s32 s22, s3  }
0x15: {  	[timem:s7], [sflag:s23] =	dma.local [hbm:s5], s21  }
0x16: {  	_ =	swait.ge [sflag:s23], s21  }
0x17: {  	s4 =	ssub.s32 $0x0, s21;
	[sflag:s23] =	ssyncset.done $0x0  }
0x18: {  	[sflag:s23] =	ssyncadd.s32 s4;
	_ =	sdelay $0x1  }
0x19: {  	s24 =	simm.s32 $0x1B8B  }
0x1a: {  	_ =	swait.ge [sflag:s24], $0x1  }
0x1b: {  	[sflag:s24] =	ssyncset.done $0x0  }
0x1c: {  	s26 =	simm.s32 $0x1B8E;
	s25 =	sld [smem:$0x3FFE];
	[sflag:s24] =	ssyncadd.s32 $0xFFFFFFFF  }
0x1d: {  	s27 =	simm.s32 $execute0_lowered;
	[smem:$0x3FD2] =	sst s26  }
0x1e: {  	s5 =	sshll.u32 s27, $0x1;
	_ =	strace $0x80000049;
	[dreg:$0x1] =	wrdreg $0xFFFFFFFF  }
0x1f: {  	s28 =	simm.s32 $_size_execute0_lowered;
	s3 =	sadd.s32 s3, s5;
	[dreg:$0x0] =	wrdreg $0x0  }
0x20: {  	s5 =	sshll.u32 s28, $0x1;
	[dreg:$0x2] =	wrdreg s3  }
0x21: {  	[dreg:$0x3] =	wrdreg s5  }
0x22: {  	[dreg:$0x4] =	wrdreg $0xC0  }
0x23: {  	_ =	task [dreg:s7], $0x5FFFF  }
0x24: {  	[dreg:$0x1] =	wrdreg $0xFFFFFFFF  }
0x25: {  	[dreg:$0x0] =	wrdreg $0x60  }
0x26: {  	[dreg:$0x2] =	wrdreg s25  }
0x27: {  	[dreg:$0x3] =	wrdreg s2  }
0x28: {  	[dreg:$0x4] =	wrdreg $0x9  }
0x29: {  	_ =	task.clear_ibuf [dreg:s7], $0x5FFFF;
	_ =	strace $0x90000049  }
0x2a: {  	s29 =	simm.s32 $0x9;
	_ =	strace $0x8000004B  }
0x2b: {  	_ =	swait.ge [sflag:s29], $0x1  }
0x2c: {  	[sflag:s29] =	ssyncadd.s32 $0xFFFFFFFF  }
0x2d: {  	_ =	strace $0x9000004B  }
0x2e: {  	_ =	sfence  }
0x2f: {  	s30 =	sld [smem:$0x0];
	_ =	sdelay $0x2  }
0x30: {  	s31 =	sshll.u32 s1, $0xD;
	s1 =	sshrl.u32 s1, $0x2  }
0x31: {  	s3 =	sand.u32 $0x4000, s31;
	s1 =	sadd.s32 s1, s30  }
0x32: {  	s0 =	sor.u32 s3, s0;
	s1 =	sshll.u32 s1, $0x11  }
0x33: {  	s0 =	sor.u32 s1, s0  }
0x34: {  	s0 =	sadd.s32 $0x8F2B, s0  }
0x35: {  	[sflag:s0] =	ssyncadd.remote.s32 $0x1  }
0x36: {  	_ =	sfence.sel $0xFFFF  }
0x37: {  	[dreg:$0x0] =	wrdreg $0xFFFFFFFF;
	(pc) =	sbr.abs _section_cstart, $3  }
0x38: {  	[dreg:$0x1] =	wrdreg $0xFFFFFFFF  }
0x39: {  	_ =	task.clear_ibuf [dreg:s7], $0x2FFFF;
	_ =	strace $0x9FFFFFFF  }
0x3a: {  	(tm) =	ssettm $0x7FFFFFFF  }
0x3b: {  	_ =	shalt  }
tec
execute0_lowered:
.L_overlay_start_1:
0x0: {  	(tag) =	ssettag $0x1  }
0x1: {  	s0 =	srdreg.scid  }
0x2: {  	s1 =	sshll.u32 s0, $0x4  }
0x3: {  	s0 =	stileid.u32;
	s1 =	sand.u32 $0x10, s1  }
0x4: {  	s1 =	sor.u32 s0, s1  }
0x5: {  	s6 =	rddreg [dreg:$0x0];
	s4 =	simm.s32 $0x1;
	s2 =	sshll.u32 s1, $0x7  }
0x6: {  	s7 =	simm.s32 $0x2;
	s12 =	simm.s32 $0x0;
	s1 =	ssub.s32 $0x4000, s2  }
0x7: {  	s8 =	simm.s32 $0x20000;
	s13 =	simm.s32 $0x0;
	s3 =	sand.u32 $0xF80, s1  }
0x8: {  	s9 =	simm.s32 $0x0;
	s5 =	sshrl.u32 s1, $0xC;
	p0 =	sne.s32 s3, $0x0  }
.Ltmp0:
0x9: {  	s1 =	rddreg [dreg:$0x2];
	s4 =	simm.s32 @!p0 $0x0;
	(pc) =	sbr.rel .LBB1_1-.Ltmp0, $4  }
0xa: {  	s11 =	simm.s32 $0x0;
	s3 =	rddreg [dreg:$0x1];
	s5 =	sadd.s32 s4, s5  }
0xb: {  	_ =	strace $0x8000004A;
	s4 =	simm.s32 $0x1;
	s5 =	smul.u32 $0x32, s5  }
0xc: {  	s6 =	sadd.s32 $0xC00, s6;
	s10 =	smov.u32 s2;
	[sflag:s4] =	ssyncpa.u1 $0x0  }
0xd: {  	p0 =	por $0x0, $0x0;
	[sflag:s7] =	ssyncpa.u1 $0x0;
	s7 =	sor.u32 $0x1, s5  }
.LBB1_4:
0xe: {  	s16 =	sshll.u32 s13, $0x3;
	s17 =	sand.u32 $0x78, s13  }
0xf: {  	s30 =	sand.u32 $0xF800, s13;
	s12 =	sshll.u32 s12, $0x10;
	s16 =	sand.u32 $0x3C00, s16  }
0x10: {  	s31 =	sand.u32 $0x7, s13;
	s16 =	sor.u32 s17, s16;
	s17 =	sadd.s32 s3, s30  }
0x11: {  	s13 =	sshll.u32 s31, $0x12;
	s16 =	sshrl.u32 s16, $0x3;
	s12 =	sadd.s32 s12, s17  }
0x12: {  	[tilespmem:s15+$0x0 ss:$0x81] =	vst.msk $0xffff, v0;
	s13 =	sor.u32 $0x400, s13;
	s12 =	sadd.s32 s16, s12  }
0x13: {  	[hbm4b:s12+s13] =	stream.strided.scatter [tilespmem:s14], [sflag:$0x2], $0x1000, s8, s13, $0x20;
	[tilespmem:$0x4040] =	vst v63  }
.LBB1_5:
0x14: {  	s14 =	sadd.s32 $0x1, s9  }
0x15: {  	s12 =	sadd.s32 $0x1000, s10;
	s16 =	smov.u32 s10;
	p2 =	sgt.s32 s14, $0x31  }
0x16: {  	s16 =	smov.u32 @p2 s12  }
0x17: {  	s14 =	simm.s32 @p2 $0x0;
	p2 =	sgt.s32 s16, $0x3FFF  }
0x18: {  	s16 =	smov.u32 @p2 s2;
	p2 =	sne.s32 s11, s7  }
.Ltmp1:
0x19: {  	p1 =	slt.u32 s11, $0x2;
	(pc) =	sbr.rel @!p2 .LBB1_6-.Ltmp1, $4  }
0x1a: {  	s15 =	simm.s32 @!p1 $0x2  }
0x1b: {  	s13 =	smov.u32 s10;
	p0 =	por !p0, !p0;
	_ =	swait.ge @!p1 [sflag:s15], $0x1000  }
0x1c: {  	s12 =	smov.u32 s9;
	[sflag:s15] =	ssyncset.done @!p1 $0x0;
	s9 =	smov.u32 s14  }
0x1d: {  	s11 =	sadd.s32 $0x1, s11;
	[sflag:s15] =	ssyncadd.s32 @!p1 $0xFFFFF000;
	s10 =	smov.u32 s16  }
.LBB1_1:
0x1e: {  	p1 =	sge.u32 s11, s5  }
0x1f: {  	s14 =	sand.u32 @!p1 $0x1FFFFFF, s9  }
0x20: {  	s15 =	smulhi.u32 @!p1 $0x4924925, s14;
	_ =	sdelay $0x1  }
0x21: {  	s15 =	smul.u32 @!p1 $0x38, s15  }
0x22: {  	s16 =	sxor.u32 @!p1 $0xFFFFFFFF, s11;
	s17 =	smul.u32 @!p1 $0x380, s10  }
0x23: {  	s31 =	sadd.s32 $0xFFFFFFFF, s11;
	s16 =	sshll.u32 @!p1 s16, $0xC;
	s14 =	ssub.s32 @!p1 s14, s15  }
0x24: {  	s15 =	sand.u32 @!p1 $0x1000, s16;
	s16 =	sadd.s32 @!p1 s6, s17;
	s14 =	sshll.u32 @!p1 s14, $0x4  }
0x25: {  	s17 =	simm.s32 @!p1 $0x1C00;
	s14 =	sadd.s32 @!p1 s14, s16;
	s16 =	simm.s32 @!p1 $0x20  }
0x26: {  	[tilespmem:s15], [sflag:$0x1] =	stream.strided.gather @!p1 [hbm4b:s14+s16], $0x1000, s17, s16, $0x38;
	[tilespmem:$0x4040] =	vst v63  }
0x27: {  	p1 =	sge.u32 s31, s5  }
.Ltmp2:
0x28: {  	_ = 	snop;
	(pc) =	sbr.rel @p1 .LBB1_5-.Ltmp2, $1  }
0x29: {  	_ =	sdelay $0x3  }
0x2a: {  	s14 =	simm.s32 $0x1  }
0x2b: {  	_ =	swait.ge [sflag:s4], $0x1000;
	s14 =	simm.s32 @!p0 $0x0  }
0x2c: {  	[sflag:s4] =	ssyncset.done $0x0;
	s15 =	sshll.u32 s14, $0xC  }
0x2d: {  	[sflag:s4] =	ssyncadd.s32 $0xFFFFF000;
	s18 =	sor.u32 $0x10, s15  }
0x2e: {  	s14 =	smul.u32 $0x4080, s14;
	v1 =	vld [tilespmem:s18+$0x0]  }
0x2f: {  	s30 =	sand.u32 $0x1, s11;
	v0 =	vld [tilespmem:s18+$0xFFFFFFF0]  }
0x30: {  	s15 =	smul.u32 $0x4080, s30;
	s14 =	sshrl.u32 s14, $0x2  }
0x31: {  	s16 =	sor.u32 $0x2000, s14  }
0x32: {  	s31 =	sshrl.u32 s15, $0x2;
	s15 =	sadd.s32 $0x0, s16  }
0x33: {  	s17 =	simm.s32 $0x4;
	s18 =	sadd.s32 $0x20, s18;
	s14 =	sor.u32 $0x2000, s31;
	[tilespmem:s15+$0x810 ss:$0x81] =	vst.msk $0xffff, v1  }
.LBB1_3:
0x34: {  	v1 =	vld [tilespmem:s18+$0x0];
	p1 =	sne.s32 s17, $0x1FC;
	[tilespmem:s15+$0x0 ss:$0x81] =	vst.msk $0xffff, v0;
	s15 =	smov.u32 s17;
	s17 =	sadd.s32 $0x4, s17  }
.Ltmp3:
0x35: {  	v0 =	vld [tilespmem:s18+$0xFFFFFFF0];
	(pc) =	sbr.rel @p1 .LBB1_3-.Ltmp3, $4  }
0x36: {  	_ = 	snop  }
0x37: {  	s15 =	sshra.s32 s15, $0x2  }
0x38: {  	s15 =	sadd.s32 s15, s16  }
0x39: {  	s18 =	sadd.s32 $0x20, s18;
	[tilespmem:s15+$0x810 ss:$0x81] =	vst.msk $0xffff, v1  }
.Ltmp4:
0x3a: {  	_ = 	snop;
	(pc) =	sbr.rel .LBB1_4-.Ltmp4, $1  }
0x3b: {  	_ =	sdelay $0x3  }
.LBB1_6:
0x3c: {  	_ =	sfence.sel $0x180000  }
0x3d: {  	s2 =	simm.s32 $0x1;
	[bflag:$0x0] =	sbarrier.arrive $0xFFFF  }
0x3e: {  	s31 =	simm.s32 $0x2;
	[sflag:s2] =	ssyncpa.u1 $0x1  }
0x3f: {  	[sflag:s31] =	ssyncpa.u1 $0x1  }
0x40: {  	p0 =	sne.s32 s0, $0x0;
	_ =	strace $0x9000004A  }
0x41: {  	s0 =	sadd.s32 @!p0 $0x100000, s1;
	[bflag:$0x2] =	sbarrier.arrive $0xFFFF  }
0x42: {  	[sflag:s0] =	ssyncadd.tile.s32 @!p0 $0x1;
	_ =	shalt  }
.Lfunc_end1:
_tile_overlayer_lowered:
.L_overlay_start_2:
0x43: {  	(tag) =	ssettag $0x2  }
0x44: {  	s0 =	rddreg [dreg:$0x0];
	s2 =	stileid.u32  }
0x45: {  	s1 =	rddreg [dreg:$0x1];
	p0 =	sne.s32 s2, $0x0  }
0x46: {  	s3 =	rddreg [dreg:$0x2];
	[bflag:$0x3] =	sbarrier.arrive $0xFFFF;
	s2 =	simm.s32 @!p0 $0x1C01  }
0x47: {  	[timem:s3], [sflag:s2] =	dma.local @!p0 [hbm:s0], s1  }
0x48: {  	s0 =	simm.s32 @!p0 $0x1  }
0x49: {  	_ =	swait.ge @!p0 [sflag:s0], s1  }
0x4a: {  	s1 =	ssub.s32 @!p0 $0x0, s1;
	[sflag:s0] =	ssyncset.done @!p0 $0x0  }
0x4b: {  	[sflag:s0] =	ssyncadd.s32 @!p0 s1  }
0x4c: {  	[bflag:$0x3] =	sbarrier.arrive $0xFFFF  }
0x4d: {  	_ =	shalt  }

</sc_bundles>
